<compile_context>
chip_gen: v7x
topology: tpu7x:2x2x1
jax: 0.10.2.dev20260603
libtpu: 0.0.44.dev20260713+nightly
codegen_flags: <defaults>
</compile_context>

<pallas_src>
import jax
import jax.numpy as jnp
from jax import lax
from jax.experimental import pallas as pl
from jax.experimental.pallas import tpu as pltpu
from jax.experimental.pallas import tpu_sc as plsc

NC = 2
NS = 16
NW = NC * NS
L = 16

B, N, K = 8, 49152, 4
TN = N // 128
Q = NW // B
TB = TN // Q
CC = 128 // L
NBUF = 3
GB = 8
NG = TB // GB


def _sc_body(pred_hbm, delta_hbm, tags_hbm, out_hbm,
             pred_v, delta_v, tags_v, acc_v,
             sem0, sem1, sem2):
    c = lax.axis_index("c")
    s = lax.axis_index("s")
    wid = s * NC + c
    b = wid // Q
    tn0 = (wid % Q) * TB

    sems = (sem0, sem1, sem2)

    def issue(g, buf):
        tn = tn0 + g * GB
        pltpu.async_copy(pred_hbm.at[b, pl.ds(tn, GB)],
                         pred_v.at[buf], sems[buf])
        pltpu.async_copy(delta_hbm.at[b, pl.ds(tn, GB)],
                         delta_v.at[buf], sems[buf])
        pltpu.async_copy(tags_hbm.at[pl.ds(tn, GB), pl.ds(b, 1)],
                         tags_v.at[buf], sems[buf])

    def drain(buf):
        pltpu.make_async_copy(pred_hbm.at[b, pl.ds(tn0, GB)],
                              pred_v.at[buf], sems[buf]).wait()
        pltpu.make_async_copy(delta_hbm.at[b, pl.ds(tn0, GB)],
                              delta_v.at[buf], sems[buf]).wait()
        pltpu.make_async_copy(tags_hbm.at[pl.ds(tn0, GB), pl.ds(b, 1)],
                              tags_v.at[buf], sems[buf]).wait()

    zeros = jnp.zeros((L,), jnp.float32)

    def block(pv, dv, tv, j, carry):
        accs = list(carry[:4])
        dens = list(carry[4:])
        for cc in range(CC):
            m = tv[j, 0, pl.ds(cc * L, L)].astype(jnp.float32)
            dens[cc % 2] = dens[cc % 2] + m
            ws = []
            for k in range(K):
                p = pv[j, k, pl.ds(cc * L, L)]
                d = dv[j, k, pl.ds(cc * L, L)]
                a = jnp.abs(p - d)
                t = jnp.minimum(a, 1.0)
                ws.append(t * (a + a - t))
            accs[cc % 4] = accs[cc % 4] + m * ((ws[0] + ws[1]) + (ws[2] + ws[3]))
        return tuple(accs) + tuple(dens)

    issue(0, 0)
    issue(1, 1)

    def outer(g, carry):
        buf = g % NBUF

        @pl.when((g + 2 < NG) & (buf == 1))
        def _prefetch0():
            issue(g + 2, 0)

        @pl.when((g + 2 < NG) & (buf == 2))
        def _prefetch1():
            issue(g + 2, 1)

        @pl.when((g + 2 < NG) & (buf == 0))
        def _prefetch2():
            issue(g + 2, 2)

        @pl.when(buf == 0)
        def _drain0():
            drain(0)

        @pl.when(buf == 1)
        def _drain1():
            drain(1)

        @pl.when(buf == 2)
        def _drain2():
            drain(2)

        pv = pred_v.at[buf]
        dv = delta_v.at[buf]
        tv = tags_v.at[buf]
        return lax.fori_loop(
            0, GB, lambda j, cr: block(pv, dv, tv, j, cr), carry)

    parts = lax.fori_loop(0, NG, outer, (zeros,) * 6)
    acc_loss = (parts[0] + parts[1]) + (parts[2] + parts[3])
    aden = parts[4] + parts[5]

    acc_v[0, pl.ds(0, L)] = acc_loss
    acc_v[1, pl.ds(0, L)] = aden
    pltpu.sync_copy(acc_v, out_hbm.at[wid])


@jax.jit
def _sc_loss(pred, delta, tags):
    mesh = plsc.VectorSubcoreMesh(core_axis_name="c", subcore_axis_name="s")
    f = pl.kernel(
        _sc_body,
        mesh=mesh,
        compiler_params=pltpu.CompilerParams(needs_layout_passes=False),
        out_type=jax.ShapeDtypeStruct((NW, 2, L), jnp.float32),
        scratch_types=[
            pltpu.VMEM((NBUF, GB, K, 128), jnp.float32),
            pltpu.VMEM((NBUF, GB, K, 128), jnp.float32),
            pltpu.VMEM((NBUF, GB, 1, 128), jnp.int32),
            pltpu.VMEM((2, L), jnp.float32),
            pltpu.SemaphoreType.DMA,
            pltpu.SemaphoreType.DMA,
            pltpu.SemaphoreType.DMA,
        ],
    )
    return f(pred, delta, tags)


def kernel(predict_deltas, deltas, anchors_tag):
    pv = predict_deltas.reshape(B, TN, 128, K).transpose(0, 1, 3, 2)
    dv = deltas.reshape(B, TN, 128, K).transpose(0, 1, 3, 2)
    tv = anchors_tag.reshape(B, TN, 128).transpose(1, 0, 2)
    part = _sc_loss(pv, dv, tv)
    total = jnp.sum(part[:, 0, :])
    den = jnp.sum(part[:, 1, :])
    return jnp.where(den > 0, total / (8.0 * den), jnp.float32(0.0))

# --- scband reference (transcript-rebuilt; emitter-appended) ---
"""Pipeline reference for scband-multi-regress-loss-1082331759382 (READ-ONLY COPY).

The authoritative reference and input builder live on the scoring server;
editing this copy changes nothing except your own understanding.
"""

import jax, jax.numpy as jnp
import numpy as np

B, N = 8, 49152

def smooth_l1_loss(y_true, y_predict, sigma=1.0):
    sigma_2 = sigma ** 2
    abs_diff = jnp.abs(y_true - y_predict)
    return jnp.where(abs_diff < 1.0 / sigma_2,
                     0.5 * sigma_2 * jnp.power(abs_diff, 2),
                     abs_diff - 0.5 / sigma_2)

def regress_loss(predict_deltas, deltas, anchors_tag):
    # tf.where(tf.equal(anchors_tag, 1.0)) + gather_nd + reduce_mean, expressed
    # with a mask so shapes stay static (mathematically identical mean over
    # positive anchors' 4 delta components; 0.0 if no positives).
    mask = (anchors_tag == 1).astype(jnp.float32)[..., None]  # [B, N, 1]
    loss_elem = smooth_l1_loss(deltas, predict_deltas)        # [B, N, 4]
    total = jnp.sum(loss_elem * mask)
    denom = jnp.sum(mask) * loss_elem.shape[-1]
    return jnp.where(denom > 0, total / denom, 0.0)

def setup_inputs(seed: int = 0) -> dict:
    key = jax.random.key(seed)
    k1, k2, k3 = jax.random.split(key, 3)
    predict_deltas = jax.random.normal(k1, (B, N, 4), dtype=jnp.float32)
    deltas = jax.random.normal(k2, (B, N, 4), dtype=jnp.float32)
    anchors_tag = jax.random.randint(k3, (B, N), 0, 2).astype(jnp.int32)
    return {"predict_deltas": predict_deltas, "deltas": deltas, "anchors_tag": anchors_tag}

def reference(predict_deltas, deltas, anchors_tag):
    # MultiRegressLoss.call over single-element lists, then concat + reduce_mean.
    loss_list = [regress_loss(predict_deltas, deltas, anchors_tag)]
    loss = jnp.stack(loss_list, axis=0)
    return jnp.mean(loss)

if __name__ == "__main__":
    import jax
    _d = setup_inputs()
    print(jax.jit(kernel)(*tuple(_d.values())))

</pallas_src>

<mosaic_0001>
#map = affine_map<(d0, d1) -> (0, 0, 0, 0)>
#map1 = affine_map<(d0, d1) -> (0, 0, 0)>
module attributes {stable_mosaic.version = 14 : i64} {
  func.func @_sc_body(%arg0: i32, %arg1: i32, %arg2: memref<8x384x4x128xf32, #tpu.memory_space<hbm>>, %arg3: memref<8x384x4x128xf32, #tpu.memory_space<hbm>>, %arg4: memref<384x8x128xi32, #tpu.memory_space<hbm>>, %arg5: memref<32x2x16xf32, #tpu.memory_space<hbm>>, %arg6: memref<3x8x4x128xf32, #tpu.memory_space<vmem>>, %arg7: memref<3x8x4x128xf32, #tpu.memory_space<vmem>>, %arg8: memref<3x8x1x128xi32, #tpu.memory_space<vmem>>, %arg9: memref<2x16xf32, #tpu.memory_space<vmem>>, %arg10: memref<!tpu.dma_semaphore, #tpu.memory_space<semaphore_mem>>, %arg11: memref<!tpu.dma_semaphore, #tpu.memory_space<semaphore_mem>>, %arg12: memref<!tpu.dma_semaphore, #tpu.memory_space<semaphore_mem>>) attributes {dimension_semantics = [#tpu.dimension_semantics<core_parallel>, #tpu.dimension_semantics<subcore_parallel>], iteration_bounds = array<i64: 2, 16>, scalar_prefetch = 0 : i64, scratch_operands = 7 : i64, tpu.core_type = #tpu.core_type<sc_vector_subcore>, window_params = [{transform_indices = #map}, {transform_indices = #map}, {transform_indices = #map1}, {transform_indices = #map1}]} {
    %mul3A = arith.constant 2 : i32
    %mul3A_0 = arith.muli %arg1, %mul3A : i32
    %add3A = arith.addi %mul3A_0, %arg0 : i32
    %jit3A = arith.constant 4 : i32
    %div3A = arith.divsi %add3A, %jit3A : i32
    %sign3A = arith.constant 0 : i32
    %sign3A_1 = arith.cmpi sgt, %add3A, %sign3A : i32
    %sign3A_2 = arith.extui %sign3A_1 : i1 to i32
    %sign3A_3 = arith.constant 0 : i32
    %sign3A_4 = arith.cmpi slt, %add3A, %sign3A_3 : i32
    %sign3A_5 = arith.extui %sign3A_4 : i1 to i32
    %sign3A_6 = arith.subi %sign3A_2, %sign3A_5 : i32
    %sign3A_7 = arith.constant 0 : i32
    %sign3A_8 = arith.cmpi sgt, %jit3A, %sign3A_7 : i32
    %sign3A_9 = arith.extui %sign3A_8 : i1 to i32
    %sign3A_10 = arith.constant 0 : i32
    %sign3A_11 = arith.cmpi slt, %jit3A, %sign3A_10 : i32
    %sign3A_12 = arith.extui %sign3A_11 : i1 to i32
    %sign3A_13 = arith.subi %sign3A_9, %sign3A_12 : i32
    %ne3A = arith.cmpi ne, %sign3A_6, %sign3A_13 : i32
    %rem3A = arith.remsi %add3A, %jit3A : i32
    %ne3A_14 = arith.constant 0 : i32
    %ne3A_15 = arith.cmpi ne, %rem3A, %ne3A_14 : i32
    %and3A = arith.andi %ne3A, %ne3A_15 : i1
    %sub3A = arith.constant 1 : i32
    %sub3A_16 = arith.subi %div3A, %sub3A : i32
    %select_n3A = arith.select %and3A, %sub3A_16, %div3A : i32
    %jit3A_17 = arith.constant 4 : i32
    %eq3A = arith.constant 0 : i32
    %eq3A_18 = arith.cmpi eq, %jit3A_17, %eq3A : i32
    %jit3A_19 = arith.constant 1 : i32
    %select_n3A_20 = arith.select %eq3A_18, %jit3A_19, %jit3A_17 : i32
    %rem3A_21 = arith.remsi %add3A, %select_n3A_20 : i32
    %ne3A_22 = arith.constant 0 : i32
    %ne3A_23 = arith.cmpi ne, %rem3A_21, %ne3A_22 : i32
    %lt3A = arith.constant 0 : i32
    %lt3A_24 = arith.cmpi slt, %rem3A_21, %lt3A : i32
    %lt3A_25 = arith.constant 0 : i32
    %lt3A_26 = arith.cmpi slt, %select_n3A_20, %lt3A_25 : i32
    %ne3A_27 = arith.xori %lt3A_24, %lt3A_26 : i1
    %and3A_28 = arith.andi %ne3A_27, %ne3A_23 : i1
    %add3A_29 = arith.addi %rem3A_21, %select_n3A_20 : i32
    %select_n3A_30 = arith.select %and3A_28, %add3A_29, %rem3A_21 : i32
    %mul3A_31 = arith.constant 96 : i32
    %mul3A_32 = arith.muli %select_n3A_30, %mul3A_31 : i32
    %broadcast_in_dim3A = arith.constant 0.000000e+00 : f32
    %broadcast_in_dim3A_33 = vector.broadcast %broadcast_in_dim3A : f32 to vector<16xf32>
    %add3A_34 = arith.constant 0 : i32
    %add3A_35 = arith.addi %mul3A_32, %add3A_34 : i32
    %dma_start3A = arith.constant 0 : i32
    %dma_start3A_36 = arith.constant 0 : i32
    %dma_start3A_37 = arith.constant 0 : i32
    %dma_start3A_38 = arith.constant 0 : i32
    %dma_start3A_39 = tpu.memref_slice %arg6[%dma_start3A, %dma_start3A_36, %dma_start3A_37, %dma_start3A_38] : memref<3x8x4x128xf32, #tpu.memory_space<vmem>> -> memref<1x8x4x128xf32, #tpu.memory_space<vmem>>
    %dma_start3A_40 = tpu.memref_squeeze %dma_start3A_39 : memref<1x8x4x128xf32, #tpu.memory_space<vmem>> -> memref<8x4x128xf32, #tpu.memory_space<vmem>>
    %dma_start3A_41 = arith.constant 0 : i32
    %dma_start3A_42 = arith.constant 0 : i32
    %dma_start3A_43 = tpu.memref_slice %arg2[%select_n3A, %add3A_35, %dma_start3A_41, %dma_start3A_42] : memref<8x384x4x128xf32, #tpu.memory_space<hbm>> -> memref<1x8x4x128xf32, #tpu.memory_space<hbm>>
    %dma_start3A_44 = tpu.memref_squeeze %dma_start3A_43 : memref<1x8x4x128xf32, #tpu.memory_space<hbm>> -> memref<8x4x128xf32, #tpu.memory_space<hbm>>
    %dma_start3A_45 = arith.constant 0 : i32
    %dma_start3A_46 = arith.constant 0 : i32
    %dma_start3A_47 = arith.constant 0 : i32
    %dma_start3A_48 = tpu.memref_slice %arg6[%dma_start3A, %dma_start3A_45, %dma_start3A_46, %dma_start3A_47] : memref<3x8x4x128xf32, #tpu.memory_space<vmem>> -> memref<1x8x4x128xf32, #tpu.memory_space<vmem>>
    %dma_start3A_49 = tpu.memref_squeeze %dma_start3A_48 : memref<1x8x4x128xf32, #tpu.memory_space<vmem>> -> memref<8x4x128xf32, #tpu.memory_space<vmem>>
    %dma_start3A_50 = arith.constant 0 : i32
    %dma_start3A_51 = arith.constant 0 : i32
    %dma_start3A_52 = tpu.memref_slice %arg2[%select_n3A, %add3A_35, %dma_start3A_50, %dma_start3A_51] : memref<8x384x4x128xf32, #tpu.memory_space<hbm>> -> memref<1x8x4x128xf32, #tpu.memory_space<hbm>>
    %dma_start3A_53 = tpu.memref_squeeze %dma_start3A_52 : memref<1x8x4x128xf32, #tpu.memory_space<hbm>> -> memref<8x4x128xf32, #tpu.memory_space<hbm>>
    tpu.enqueue_dma source(%dma_start3A_53 : memref<8x4x128xf32, #tpu.memory_space<hbm>>) target(%dma_start3A_49 : memref<8x4x128xf32, #tpu.memory_space<vmem>>) target_semaphore(%arg10 : memref<!tpu.dma_semaphore, #tpu.memory_space<semaphore_mem>>)
    %dma_start3A_54 = arith.constant 0 : i32
    %dma_start3A_55 = arith.constant 0 : i32
    %dma_start3A_56 = arith.constant 0 : i32
    %dma_start3A_57 = arith.constant 0 : i32
    %dma_start3A_58 = tpu.memref_slice %arg7[%dma_start3A_54, %dma_start3A_55, %dma_start3A_56, %dma_start3A_57] : memref<3x8x4x128xf32, #tpu.memory_space<vmem>> -> memref<1x8x4x128xf32, #tpu.memory_space<vmem>>
    %dma_start3A_59 = tpu.memref_squeeze %dma_start3A_58 : memref<1x8x4x128xf32, #tpu.memory_space<vmem>> -> memref<8x4x128xf32, #tpu.memory_space<vmem>>
    %dma_start3A_60 = arith.constant 0 : i32
    %dma_start3A_61 = arith.constant 0 : i32
    %dma_start3A_62 = tpu.memref_slice %arg3[%select_n3A, %add3A_35, %dma_start3A_60, %dma_start3A_61] : memref<8x384x4x128xf32, #tpu.memory_space<hbm>> -> memref<1x8x4x128xf32, #tpu.memory_space<hbm>>
    %dma_start3A_63 = tpu.memref_squeeze %dma_start3A_62 : memref<1x8x4x128xf32, #tpu.memory_space<hbm>> -> memref<8x4x128xf32, #tpu.memory_space<hbm>>
    %dma_start3A_64 = arith.constant 0 : i32
    %dma_start3A_65 = arith.constant 0 : i32
    %dma_start3A_66 = arith.constant 0 : i32
    %dma_start3A_67 = tpu.memref_slice %arg7[%dma_start3A_54, %dma_start3A_64, %dma_start3A_65, %dma_start3A_66] : memref<3x8x4x128xf32, #tpu.memory_space<vmem>> -> memref<1x8x4x128xf32, #tpu.memory_space<vmem>>
    %dma_start3A_68 = tpu.memref_squeeze %dma_start3A_67 : memref<1x8x4x128xf32, #tpu.memory_space<vmem>> -> memref<8x4x128xf32, #tpu.memory_space<vmem>>
    %dma_start3A_69 = arith.constant 0 : i32
    %dma_start3A_70 = arith.constant 0 : i32
    %dma_start3A_71 = tpu.memref_slice %arg3[%select_n3A, %add3A_35, %dma_start3A_69, %dma_start3A_70] : memref<8x384x4x128xf32, #tpu.memory_space<hbm>> -> memref<1x8x4x128xf32, #tpu.memory_space<hbm>>
    %dma_start3A_72 = tpu.memref_squeeze %dma_start3A_71 : memref<1x8x4x128xf32, #tpu.memory_space<hbm>> -> memref<8x4x128xf32, #tpu.memory_space<hbm>>
    tpu.enqueue_dma source(%dma_start3A_72 : memref<8x4x128xf32, #tpu.memory_space<hbm>>) target(%dma_start3A_68 : memref<8x4x128xf32, #tpu.memory_space<vmem>>) target_semaphore(%arg10 : memref<!tpu.dma_semaphore, #tpu.memory_space<semaphore_mem>>)
    %dma_start3A_73 = arith.constant 0 : i32
    %dma_start3A_74 = arith.constant 0 : i32
    %dma_start3A_75 = arith.constant 0 : i32
    %dma_start3A_76 = arith.constant 0 : i32
    %dma_start3A_77 = tpu.memref_slice %arg8[%dma_start3A_73, %dma_start3A_74, %dma_start3A_75, %dma_start3A_76] : memref<3x8x1x128xi32, #tpu.memory_space<vmem>> -> memref<1x8x1x128xi32, #tpu.memory_space<vmem>>
    %dma_start3A_78 = tpu.memref_squeeze %dma_start3A_77 : memref<1x8x1x128xi32, #tpu.memory_space<vmem>> -> memref<8x1x128xi32, #tpu.memory_space<vmem>>
    %dma_start3A_79 = arith.constant 0 : i32
    %dma_start3A_80 = tpu.memref_slice %arg4[%add3A_35, %select_n3A, %dma_start3A_79] : memref<384x8x128xi32, #tpu.memory_space<hbm>> -> memref<8x1x128xi32, #tpu.memory_space<hbm>>
    %dma_start3A_81 = arith.constant 0 : i32
    %dma_start3A_82 = arith.constant 0 : i32
    %dma_start3A_83 = arith.constant 0 : i32
    %dma_start3A_84 = tpu.memref_slice %arg8[%dma_start3A_73, %dma_start3A_81, %dma_start3A_82, %dma_start3A_83] : memref<3x8x1x128xi32, #tpu.memory_space<vmem>> -> memref<1x8x1x128xi32, #tpu.memory_space<vmem>>
    %dma_start3A_85 = tpu.memref_squeeze %dma_start3A_84 : memref<1x8x1x128xi32, #tpu.memory_space<vmem>> -> memref<8x1x128xi32, #tpu.memory_space<vmem>>
    %dma_start3A_86 = arith.constant 0 : i32
    %dma_start3A_87 = tpu.memref_slice %arg4[%add3A_35, %select_n3A, %dma_start3A_86] : memref<384x8x128xi32, #tpu.memory_space<hbm>> -> memref<8x1x128xi32, #tpu.memory_space<hbm>>
    tpu.enqueue_dma source(%dma_start3A_87 : memref<8x1x128xi32, #tpu.memory_space<hbm>>) target(%dma_start3A_85 : memref<8x1x128xi32, #tpu.memory_space<vmem>>) target_semaphore(%arg10 : memref<!tpu.dma_semaphore, #tpu.memory_space<semaphore_mem>>)
    %add3A_88 = arith.constant 8 : i32
    %add3A_89 = arith.addi %mul3A_32, %add3A_88 : i32
    %dma_start3A_90 = arith.constant 1 : i32
    %dma_start3A_91 = arith.constant 0 : i32
    %dma_start3A_92 = arith.constant 0 : i32
    %dma_start3A_93 = arith.constant 0 : i32
    %dma_start3A_94 = tpu.memref_slice %arg6[%dma_start3A_90, %dma_start3A_91, %dma_start3A_92, %dma_start3A_93] : memref<3x8x4x128xf32, #tpu.memory_space<vmem>> -> memref<1x8x4x128xf32, #tpu.memory_space<vmem>>
    %dma_start3A_95 = tpu.memref_squeeze %dma_start3A_94 : memref<1x8x4x128xf32, #tpu.memory_space<vmem>> -> memref<8x4x128xf32, #tpu.memory_space<vmem>>
    %dma_start3A_96 = arith.constant 0 : i32
    %dma_start3A_97 = arith.constant 0 : i32
    %dma_start3A_98 = tpu.memref_slice %arg2[%select_n3A, %add3A_89, %dma_start3A_96, %dma_start3A_97] : memref<8x384x4x128xf32, #tpu.memory_space<hbm>> -> memref<1x8x4x128xf32, #tpu.memory_space<hbm>>
    %dma_start3A_99 = tpu.memref_squeeze %dma_start3A_98 : memref<1x8x4x128xf32, #tpu.memory_space<hbm>> -> memref<8x4x128xf32, #tpu.memory_space<hbm>>
    %dma_start3A_100 = arith.constant 0 : i32
    %dma_start3A_101 = arith.constant 0 : i32
    %dma_start3A_102 = arith.constant 0 : i32
    %dma_start3A_103 = tpu.memref_slice %arg6[%dma_start3A_90, %dma_start3A_100, %dma_start3A_101, %dma_start3A_102] : memref<3x8x4x128xf32, #tpu.memory_space<vmem>> -> memref<1x8x4x128xf32, #tpu.memory_space<vmem>>
    %dma_start3A_104 = tpu.memref_squeeze %dma_start3A_103 : memref<1x8x4x128xf32, #tpu.memory_space<vmem>> -> memref<8x4x128xf32, #tpu.memory_space<vmem>>
    %dma_start3A_105 = arith.constant 0 : i32
    %dma_start3A_106 = arith.constant 0 : i32
    %dma_start3A_107 = tpu.memref_slice %arg2[%select_n3A, %add3A_89, %dma_start3A_105, %dma_start3A_106] : memref<8x384x4x128xf32, #tpu.memory_space<hbm>> -> memref<1x8x4x128xf32, #tpu.memory_space<hbm>>
    %dma_start3A_108 = tpu.memref_squeeze %dma_start3A_107 : memref<1x8x4x128xf32, #tpu.memory_space<hbm>> -> memref<8x4x128xf32, #tpu.memory_space<hbm>>
    tpu.enqueue_dma source(%dma_start3A_108 : memref<8x4x128xf32, #tpu.memory_space<hbm>>) target(%dma_start3A_104 : memref<8x4x128xf32, #tpu.memory_space<vmem>>) target_semaphore(%arg11 : memref<!tpu.dma_semaphore, #tpu.memory_space<semaphore_mem>>)
    %dma_start3A_109 = arith.constant 1 : i32
    %dma_start3A_110 = arith.constant 0 : i32
    %dma_start3A_111 = arith.constant 0 : i32
    %dma_start3A_112 = arith.constant 0 : i32
    %dma_start3A_113 = tpu.memref_slice %arg7[%dma_start3A_109, %dma_start3A_110, %dma_start3A_111, %dma_start3A_112] : memref<3x8x4x128xf32, #tpu.memory_space<vmem>> -> memref<1x8x4x128xf32, #tpu.memory_space<vmem>>
    %dma_start3A_114 = tpu.memref_squeeze %dma_start3A_113 : memref<1x8x4x128xf32, #tpu.memory_space<vmem>> -> memref<8x4x128xf32, #tpu.memory_space<vmem>>
    %dma_start3A_115 = arith.constant 0 : i32
    %dma_start3A_116 = arith.constant 0 : i32
    %dma_start3A_117 = tpu.memref_slice %arg3[%select_n3A, %add3A_89, %dma_start3A_115, %dma_start3A_116] : memref<8x384x4x128xf32, #tpu.memory_space<hbm>> -> memref<1x8x4x128xf32, #tpu.memory_space<hbm>>
    %dma_start3A_118 = tpu.memref_squeeze %dma_start3A_117 : memref<1x8x4x128xf32, #tpu.memory_space<hbm>> -> memref<8x4x128xf32, #tpu.memory_space<hbm>>
    %dma_start3A_119 = arith.constant 0 : i32
    %dma_start3A_120 = arith.constant 0 : i32
    %dma_start3A_121 = arith.constant 0 : i32
    %dma_start3A_122 = tpu.memref_slice %arg7[%dma_start3A_109, %dma_start3A_119, %dma_start3A_120, %dma_start3A_121] : memref<3x8x4x128xf32, #tpu.memory_space<vmem>> -> memref<1x8x4x128xf32, #tpu.memory_space<vmem>>
    %dma_start3A_123 = tpu.memref_squeeze %dma_start3A_122 : memref<1x8x4x128xf32, #tpu.memory_space<vmem>> -> memref<8x4x128xf32, #tpu.memory_space<vmem>>
    %dma_start3A_124 = arith.constant 0 : i32
    %dma_start3A_125 = arith.constant 0 : i32
    %dma_start3A_126 = tpu.memref_slice %arg3[%select_n3A, %add3A_89, %dma_start3A_124, %dma_start3A_125] : memref<8x384x4x128xf32, #tpu.memory_space<hbm>> -> memref<1x8x4x128xf32, #tpu.memory_space<hbm>>
    %dma_start3A_127 = tpu.memref_squeeze %dma_start3A_126 : memref<1x8x4x128xf32, #tpu.memory_space<hbm>> -> memref<8x4x128xf32, #tpu.memory_space<hbm>>
    tpu.enqueue_dma source(%dma_start3A_127 : memref<8x4x128xf32, #tpu.memory_space<hbm>>) target(%dma_start3A_123 : memref<8x4x128xf32, #tpu.memory_space<vmem>>) target_semaphore(%arg11 : memref<!tpu.dma_semaphore, #tpu.memory_space<semaphore_mem>>)
    %dma_start3A_128 = arith.constant 1 : i32
    %dma_start3A_129 = arith.constant 0 : i32
    %dma_start3A_130 = arith.constant 0 : i32
    %dma_start3A_131 = arith.constant 0 : i32
    %dma_start3A_132 = tpu.memref_slice %arg8[%dma_start3A_128, %dma_start3A_129, %dma_start3A_130, %dma_start3A_131] : memref<3x8x1x128xi32, #tpu.memory_space<vmem>> -> memref<1x8x1x128xi32, #tpu.memory_space<vmem>>
    %dma_start3A_133 = tpu.memref_squeeze %dma_start3A_132 : memref<1x8x1x128xi32, #tpu.memory_space<vmem>> -> memref<8x1x128xi32, #tpu.memory_space<vmem>>
    %dma_start3A_134 = arith.constant 0 : i32
    %dma_start3A_135 = tpu.memref_slice %arg4[%add3A_89, %select_n3A, %dma_start3A_134] : memref<384x8x128xi32, #tpu.memory_space<hbm>> -> memref<8x1x128xi32, #tpu.memory_space<hbm>>
    %dma_start3A_136 = arith.constant 0 : i32
    %dma_start3A_137 = arith.constant 0 : i32
    %dma_start3A_138 = arith.constant 0 : i32
    %dma_start3A_139 = tpu.memref_slice %arg8[%dma_start3A_128, %dma_start3A_136, %dma_start3A_137, %dma_start3A_138] : memref<3x8x1x128xi32, #tpu.memory_space<vmem>> -> memref<1x8x1x128xi32, #tpu.memory_space<vmem>>
    %dma_start3A_140 = tpu.memref_squeeze %dma_start3A_139 : memref<1x8x1x128xi32, #tpu.memory_space<vmem>> -> memref<8x1x128xi32, #tpu.memory_space<vmem>>
    %dma_start3A_141 = arith.constant 0 : i32
    %dma_start3A_142 = tpu.memref_slice %arg4[%add3A_89, %select_n3A, %dma_start3A_141] : memref<384x8x128xi32, #tpu.memory_space<hbm>> -> memref<8x1x128xi32, #tpu.memory_space<hbm>>
    tpu.enqueue_dma source(%dma_start3A_142 : memref<8x1x128xi32, #tpu.memory_space<hbm>>) target(%dma_start3A_140 : memref<8x1x128xi32, #tpu.memory_space<vmem>>) target_semaphore(%arg11 : memref<!tpu.dma_semaphore, #tpu.memory_space<semaphore_mem>>)
    %scan3A = arith.constant 0 : i32
    %scan3A_143 = arith.constant 12 : i32
    %scan3A_144 = arith.addi %scan3A, %scan3A_143 : i32
    %scan3A_145 = arith.constant 1 : i32
    %scan3A_146:6 = scf.for %scan3A_159 = %scan3A to %scan3A_144 step %scan3A_145 iter_args(%scan3A_160 = %broadcast_in_dim3A_33, %scan3A_161 = %broadcast_in_dim3A_33, %scan3A_162 = %broadcast_in_dim3A_33, %scan3A_163 = %broadcast_in_dim3A_33, %scan3A_164 = %broadcast_in_dim3A_33, %scan3A_165 = %broadcast_in_dim3A_33) -> (vector<16xf32>, vector<16xf32>, vector<16xf32>, vector<16xf32>, vector<16xf32>, vector<16xf32>)  : i32 {
      %jit3A_166 = arith.constant 3 : i32
      %eq3A_167 = arith.constant 0 : i32
      %eq3A_168 = arith.cmpi eq, %jit3A_166, %eq3A_167 : i32
      %jit3A_169 = arith.constant 1 : i32
      %select_n3A_170 = arith.select %eq3A_168, %jit3A_169, %jit3A_166 : i32
      %rem3A_171 = arith.remsi %scan3A_159, %select_n3A_170 : i32
      %ne3A_172 = arith.constant 0 : i32
      %ne3A_173 = arith.cmpi ne, %rem3A_171, %ne3A_172 : i32
      %lt3A_174 = arith.constant 0 : i32
      %lt3A_175 = arith.cmpi slt, %rem3A_171, %lt3A_174 : i32
      %lt3A_176 = arith.constant 0 : i32
      %lt3A_177 = arith.cmpi slt, %select_n3A_170, %lt3A_176 : i32
      %ne3A_178 = arith.xori %lt3A_175, %lt3A_177 : i1
      %and3A_179 = arith.andi %ne3A_178, %ne3A_173 : i1
      %add3A_180 = arith.addi %rem3A_171, %select_n3A_170 : i32
      %select_n3A_181 = arith.select %and3A_179, %add3A_180, %rem3A_171 : i32
      %add3A_182 = arith.constant 2 : i32
      %add3A_183 = arith.addi %scan3A_159, %add3A_182 : i32
      %lt3A_184 = arith.constant 12 : i32
      %lt3A_185 = arith.cmpi slt, %add3A_183, %lt3A_184 : i32
      %eq3A_186 = arith.constant 1 : i32
      %eq3A_187 = arith.cmpi eq, %select_n3A_181, %eq3A_186 : i32
      %and3A_188 = arith.andi %lt3A_185, %eq3A_187 : i1
      %convert_element_type3A = arith.extui %and3A_188 : i1 to i32
      %cond3A = arith.constant 0 : i32
      %cond3A_189 = arith.cmpi ne, %convert_element_type3A, %cond3A : i32
      scf.if %cond3A_189 {
        %add3A_231 = arith.constant 2 : i32
        %add3A_232 = arith.addi %scan3A_159, %add3A_231 : i32
        %mul3A_233 = arith.constant 8 : i32
        %mul3A_234 = arith.muli %add3A_232, %mul3A_233 : i32
        %add3A_235 = arith.addi %mul3A_32, %mul3A_234 : i32
        %dma_start3A_236 = arith.constant 0 : i32
        %dma_start3A_237 = arith.constant 0 : i32
        %dma_start3A_238 = arith.constant 0 : i32
        %dma_start3A_239 = arith.constant 0 : i32
        %dma_start3A_240 = tpu.memref_slice %arg6[%dma_start3A_236, %dma_start3A_237, %dma_start3A_238, %dma_start3A_239] : memref<3x8x4x128xf32, #tpu.memory_space<vmem>> -> memref<1x8x4x128xf32, #tpu.memory_space<vmem>>
        %dma_start3A_241 = tpu.memref_squeeze %dma_start3A_240 : memref<1x8x4x128xf32, #tpu.memory_space<vmem>> -> memref<8x4x128xf32, #tpu.memory_space<vmem>>
        %dma_start3A_242 = arith.constant 0 : i32
        %dma_start3A_243 = arith.constant 0 : i32
        %dma_start3A_244 = tpu.memref_slice %arg2[%select_n3A, %add3A_235, %dma_start3A_242, %dma_start3A_243] : memref<8x384x4x128xf32, #tpu.memory_space<hbm>> -> memref<1x8x4x128xf32, #tpu.memory_space<hbm>>
        %dma_start3A_245 = tpu.memref_squeeze %dma_start3A_244 : memref<1x8x4x128xf32, #tpu.memory_space<hbm>> -> memref<8x4x128xf32, #tpu.memory_space<hbm>>
        %dma_start3A_246 = arith.constant 0 : i32
        %dma_start3A_247 = arith.constant 0 : i32
        %dma_start3A_248 = arith.constant 0 : i32
        %dma_start3A_249 = tpu.memref_slice %arg6[%dma_start3A_236, %dma_start3A_246, %dma_start3A_247, %dma_start3A_248] : memref<3x8x4x128xf32, #tpu.memory_space<vmem>> -> memref<1x8x4x128xf32, #tpu.memory_space<vmem>>
        %dma_start3A_250 = tpu.memref_squeeze %dma_start3A_249 : memref<1x8x4x128xf32, #tpu.memory_space<vmem>> -> memref<8x4x128xf32, #tpu.memory_space<vmem>>
        %dma_start3A_251 = arith.constant 0 : i32
        %dma_start3A_252 = arith.constant 0 : i32
        %dma_start3A_253 = tpu.memref_slice %arg2[%select_n3A, %add3A_235, %dma_start3A_251, %dma_start3A_252] : memref<8x384x4x128xf32, #tpu.memory_space<hbm>> -> memref<1x8x4x128xf32, #tpu.memory_space<hbm>>
        %dma_start3A_254 = tpu.memref_squeeze %dma_start3A_253 : memref<1x8x4x128xf32, #tpu.memory_space<hbm>> -> memref<8x4x128xf32, #tpu.memory_space<hbm>>
        tpu.enqueue_dma source(%dma_start3A_254 : memref<8x4x128xf32, #tpu.memory_space<hbm>>) target(%dma_start3A_250 : memref<8x4x128xf32, #tpu.memory_space<vmem>>) target_semaphore(%arg10 : memref<!tpu.dma_semaphore, #tpu.memory_space<semaphore_mem>>)
        %dma_start3A_255 = arith.constant 0 : i32
        %dma_start3A_256 = arith.constant 0 : i32
        %dma_start3A_257 = arith.constant 0 : i32
        %dma_start3A_258 = arith.constant 0 : i32
        %dma_start3A_259 = tpu.memref_slice %arg7[%dma_start3A_255, %dma_start3A_256, %dma_start3A_257, %dma_start3A_258] : memref<3x8x4x128xf32, #tpu.memory_space<vmem>> -> memref<1x8x4x128xf32, #tpu.memory_space<vmem>>
        %dma_start3A_260 = tpu.memref_squeeze %dma_start3A_259 : memref<1x8x4x128xf32, #tpu.memory_space<vmem>> -> memref<8x4x128xf32, #tpu.memory_space<vmem>>
        %dma_start3A_261 = arith.constant 0 : i32
        %dma_start3A_262 = arith.constant 0 : i32
        %dma_start3A_263 = tpu.memref_slice %arg3[%select_n3A, %add3A_235, %dma_start3A_261, %dma_start3A_262] : memref<8x384x4x128xf32, #tpu.memory_space<hbm>> -> memref<1x8x4x128xf32, #tpu.memory_space<hbm>>
        %dma_start3A_264 = tpu.memref_squeeze %dma_start3A_263 : memref<1x8x4x128xf32, #tpu.memory_space<hbm>> -> memref<8x4x128xf32, #tpu.memory_space<hbm>>
        %dma_start3A_265 = arith.constant 0 : i32
        %dma_start3A_266 = arith.constant 0 : i32
        %dma_start3A_267 = arith.constant 0 : i32
        %dma_start3A_268 = tpu.memref_slice %arg7[%dma_start3A_255, %dma_start3A_265, %dma_start3A_266, %dma_start3A_267] : memref<3x8x4x128xf32, #tpu.memory_space<vmem>> -> memref<1x8x4x128xf32, #tpu.memory_space<vmem>>
        %dma_start3A_269 = tpu.memref_squeeze %dma_start3A_268 : memref<1x8x4x128xf32, #tpu.memory_space<vmem>> -> memref<8x4x128xf32, #tpu.memory_space<vmem>>
        %dma_start3A_270 = arith.constant 0 : i32
        %dma_start3A_271 = arith.constant 0 : i32
        %dma_start3A_272 = tpu.memref_slice %arg3[%select_n3A, %add3A_235, %dma_start3A_270, %dma_start3A_271] : memref<8x384x4x128xf32, #tpu.memory_space<hbm>> -> memref<1x8x4x128xf32, #tpu.memory_space<hbm>>
        %dma_start3A_273 = tpu.memref_squeeze %dma_start3A_272 : memref<1x8x4x128xf32, #tpu.memory_space<hbm>> -> memref<8x4x128xf32, #tpu.memory_space<hbm>>
        tpu.enqueue_dma source(%dma_start3A_273 : memref<8x4x128xf32, #tpu.memory_space<hbm>>) target(%dma_start3A_269 : memref<8x4x128xf32, #tpu.memory_space<vmem>>) target_semaphore(%arg10 : memref<!tpu.dma_semaphore, #tpu.memory_space<semaphore_mem>>)
        %dma_start3A_274 = arith.constant 0 : i32
        %dma_start3A_275 = arith.constant 0 : i32
        %dma_start3A_276 = arith.constant 0 : i32
        %dma_start3A_277 = arith.constant 0 : i32
        %dma_start3A_278 = tpu.memref_slice %arg8[%dma_start3A_274, %dma_start3A_275, %dma_start3A_276, %dma_start3A_277] : memref<3x8x1x128xi32, #tpu.memory_space<vmem>> -> memref<1x8x1x128xi32, #tpu.memory_space<vmem>>
        %dma_start3A_279 = tpu.memref_squeeze %dma_start3A_278 : memref<1x8x1x128xi32, #tpu.memory_space<vmem>> -> memref<8x1x128xi32, #tpu.memory_space<vmem>>
        %dma_start3A_280 = arith.constant 0 : i32
        %dma_start3A_281 = tpu.memref_slice %arg4[%add3A_235, %select_n3A, %dma_start3A_280] : memref<384x8x128xi32, #tpu.memory_space<hbm>> -> memref<8x1x128xi32, #tpu.memory_space<hbm>>
        %dma_start3A_282 = arith.constant 0 : i32
        %dma_start3A_283 = arith.constant 0 : i32
        %dma_start3A_284 = arith.constant 0 : i32
        %dma_start3A_285 = tpu.memref_slice %arg8[%dma_start3A_274, %dma_start3A_282, %dma_start3A_283, %dma_start3A_284] : memref<3x8x1x128xi32, #tpu.memory_space<vmem>> -> memref<1x8x1x128xi32, #tpu.memory_space<vmem>>
        %dma_start3A_286 = tpu.memref_squeeze %dma_start3A_285 : memref<1x8x1x128xi32, #tpu.memory_space<vmem>> -> memref<8x1x128xi32, #tpu.memory_space<vmem>>
        %dma_start3A_287 = arith.constant 0 : i32
        %dma_start3A_288 = tpu.memref_slice %arg4[%add3A_235, %select_n3A, %dma_start3A_287] : memref<384x8x128xi32, #tpu.memory_space<hbm>> -> memref<8x1x128xi32, #tpu.memory_space<hbm>>
        tpu.enqueue_dma source(%dma_start3A_288 : memref<8x1x128xi32, #tpu.memory_space<hbm>>) target(%dma_start3A_286 : memref<8x1x128xi32, #tpu.memory_space<vmem>>) target_semaphore(%arg10 : memref<!tpu.dma_semaphore, #tpu.memory_space<semaphore_mem>>)
      } else {
      }
      %add3A_190 = arith.constant 2 : i32
      %add3A_191 = arith.addi %scan3A_159, %add3A_190 : i32
      %lt3A_192 = arith.constant 12 : i32
      %lt3A_193 = arith.cmpi slt, %add3A_191, %lt3A_192 : i32
      %eq3A_194 = arith.constant 2 : i32
      %eq3A_195 = arith.cmpi eq, %select_n3A_181, %eq3A_194 : i32
      %and3A_196 = arith.andi %lt3A_193, %eq3A_195 : i1
      %convert_element_type3A_197 = arith.extui %and3A_196 : i1 to i32
      %cond3A_198 = arith.constant 0 : i32
      %cond3A_199 = arith.cmpi ne, %convert_element_type3A_197, %cond3A_198 : i32
      scf.if %cond3A_199 {
        %add3A_231 = arith.constant 2 : i32
        %add3A_232 = arith.addi %scan3A_159, %add3A_231 : i32
        %mul3A_233 = arith.constant 8 : i32
        %mul3A_234 = arith.muli %add3A_232, %mul3A_233 : i32
        %add3A_235 = arith.addi %mul3A_32, %mul3A_234 : i32
        %dma_start3A_236 = arith.constant 1 : i32
        %dma_start3A_237 = arith.constant 0 : i32
        %dma_start3A_238 = arith.constant 0 : i32
        %dma_start3A_239 = arith.constant 0 : i32
        %dma_start3A_240 = tpu.memref_slice %arg6[%dma_start3A_236, %dma_start3A_237, %dma_start3A_238, %dma_start3A_239] : memref<3x8x4x128xf32, #tpu.memory_space<vmem>> -> memref<1x8x4x128xf32, #tpu.memory_space<vmem>>
        %dma_start3A_241 = tpu.memref_squeeze %dma_start3A_240 : memref<1x8x4x128xf32, #tpu.memory_space<vmem>> -> memref<8x4x128xf32, #tpu.memory_space<vmem>>
        %dma_start3A_242 = arith.constant 0 : i32
        %dma_start3A_243 = arith.constant 0 : i32
        %dma_start3A_244 = tpu.memref_slice %arg2[%select_n3A, %add3A_235, %dma_start3A_242, %dma_start3A_243] : memref<8x384x4x128xf32, #tpu.memory_space<hbm>> -> memref<1x8x4x128xf32, #tpu.memory_space<hbm>>
        %dma_start3A_245 = tpu.memref_squeeze %dma_start3A_244 : memref<1x8x4x128xf32, #tpu.memory_space<hbm>> -> memref<8x4x128xf32, #tpu.memory_space<hbm>>
        %dma_start3A_246 = arith.constant 0 : i32
        %dma_start3A_247 = arith.constant 0 : i32
        %dma_start3A_248 = arith.constant 0 : i32
        %dma_start3A_249 = tpu.memref_slice %arg6[%dma_start3A_236, %dma_start3A_246, %dma_start3A_247, %dma_start3A_248] : memref<3x8x4x128xf32, #tpu.memory_space<vmem>> -> memref<1x8x4x128xf32, #tpu.memory_space<vmem>>
        %dma_start3A_250 = tpu.memref_squeeze %dma_start3A_249 : memref<1x8x4x128xf32, #tpu.memory_space<vmem>> -> memref<8x4x128xf32, #tpu.memory_space<vmem>>
        %dma_start3A_251 = arith.constant 0 : i32
        %dma_start3A_252 = arith.constant 0 : i32
        %dma_start3A_253 = tpu.memref_slice %arg2[%select_n3A, %add3A_235, %dma_start3A_251, %dma_start3A_252] : memref<8x384x4x128xf32, #tpu.memory_space<hbm>> -> memref<1x8x4x128xf32, #tpu.memory_space<hbm>>
        %dma_start3A_254 = tpu.memref_squeeze %dma_start3A_253 : memref<1x8x4x128xf32, #tpu.memory_space<hbm>> -> memref<8x4x128xf32, #tpu.memory_space<hbm>>
        tpu.enqueue_dma source(%dma_start3A_254 : memref<8x4x128xf32, #tpu.memory_space<hbm>>) target(%dma_start3A_250 : memref<8x4x128xf32, #tpu.memory_space<vmem>>) target_semaphore(%arg11 : memref<!tpu.dma_semaphore, #tpu.memory_space<semaphore_mem>>)
        %dma_start3A_255 = arith.constant 1 : i32
        %dma_start3A_256 = arith.constant 0 : i32
        %dma_start3A_257 = arith.constant 0 : i32
        %dma_start3A_258 = arith.constant 0 : i32
        %dma_start3A_259 = tpu.memref_slice %arg7[%dma_start3A_255, %dma_start3A_256, %dma_start3A_257, %dma_start3A_258] : memref<3x8x4x128xf32, #tpu.memory_space<vmem>> -> memref<1x8x4x128xf32, #tpu.memory_space<vmem>>
        %dma_start3A_260 = tpu.memref_squeeze %dma_start3A_259 : memref<1x8x4x128xf32, #tpu.memory_space<vmem>> -> memref<8x4x128xf32, #tpu.memory_space<vmem>>
        %dma_start3A_261 = arith.constant 0 : i32
        %dma_start3A_262 = arith.constant 0 : i32
        %dma_start3A_263 = tpu.memref_slice %arg3[%select_n3A, %add3A_235, %dma_start3A_261, %dma_start3A_262] : memref<8x384x4x128xf32, #tpu.memory_space<hbm>> -> memref<1x8x4x128xf32, #tpu.memory_space<hbm>>
        %dma_start3A_264 = tpu.memref_squeeze %dma_start3A_263 : memref<1x8x4x128xf32, #tpu.memory_space<hbm>> -> memref<8x4x128xf32, #tpu.memory_space<hbm>>
        %dma_start3A_265 = arith.constant 0 : i32
        %dma_start3A_266 = arith.constant 0 : i32
        %dma_start3A_267 = arith.constant 0 : i32
        %dma_start3A_268 = tpu.memref_slice %arg7[%dma_start3A_255, %dma_start3A_265, %dma_start3A_266, %dma_start3A_267] : memref<3x8x4x128xf32, #tpu.memory_space<vmem>> -> memref<1x8x4x128xf32, #tpu.memory_space<vmem>>
        %dma_start3A_269 = tpu.memref_squeeze %dma_start3A_268 : memref<1x8x4x128xf32, #tpu.memory_space<vmem>> -> memref<8x4x128xf32, #tpu.memory_space<vmem>>
        %dma_start3A_270 = arith.constant 0 : i32
        %dma_start3A_271 = arith.constant 0 : i32
        %dma_start3A_272 = tpu.memref_slice %arg3[%select_n3A, %add3A_235, %dma_start3A_270, %dma_start3A_271] : memref<8x384x4x128xf32, #tpu.memory_space<hbm>> -> memref<1x8x4x128xf32, #tpu.memory_space<hbm>>
        %dma_start3A_273 = tpu.memref_squeeze %dma_start3A_272 : memref<1x8x4x128xf32, #tpu.memory_space<hbm>> -> memref<8x4x128xf32, #tpu.memory_space<hbm>>
        tpu.enqueue_dma source(%dma_start3A_273 : memref<8x4x128xf32, #tpu.memory_space<hbm>>) target(%dma_start3A_269 : memref<8x4x128xf32, #tpu.memory_space<vmem>>) target_semaphore(%arg11 : memref<!tpu.dma_semaphore, #tpu.memory_space<semaphore_mem>>)
        %dma_start3A_274 = arith.constant 1 : i32
        %dma_start3A_275 = arith.constant 0 : i32
        %dma_start3A_276 = arith.constant 0 : i32
        %dma_start3A_277 = arith.constant 0 : i32
        %dma_start3A_278 = tpu.memref_slice %arg8[%dma_start3A_274, %dma_start3A_275, %dma_start3A_276, %dma_start3A_277] : memref<3x8x1x128xi32, #tpu.memory_space<vmem>> -> memref<1x8x1x128xi32, #tpu.memory_space<vmem>>
        %dma_start3A_279 = tpu.memref_squeeze %dma_start3A_278 : memref<1x8x1x128xi32, #tpu.memory_space<vmem>> -> memref<8x1x128xi32, #tpu.memory_space<vmem>>
        %dma_start3A_280 = arith.constant 0 : i32
        %dma_start3A_281 = tpu.memref_slice %arg4[%add3A_235, %select_n3A, %dma_start3A_280] : memref<384x8x128xi32, #tpu.memory_space<hbm>> -> memref<8x1x128xi32, #tpu.memory_space<hbm>>
        %dma_start3A_282 = arith.constant 0 : i32
        %dma_start3A_283 = arith.constant 0 : i32
        %dma_start3A_284 = arith.constant 0 : i32
        %dma_start3A_285 = tpu.memref_slice %arg8[%dma_start3A_274, %dma_start3A_282, %dma_start3A_283, %dma_start3A_284] : memref<3x8x1x128xi32, #tpu.memory_space<vmem>> -> memref<1x8x1x128xi32, #tpu.memory_space<vmem>>
        %dma_start3A_286 = tpu.memref_squeeze %dma_start3A_285 : memref<1x8x1x128xi32, #tpu.memory_space<vmem>> -> memref<8x1x128xi32, #tpu.memory_space<vmem>>
        %dma_start3A_287 = arith.constant 0 : i32
        %dma_start3A_288 = tpu.memref_slice %arg4[%add3A_235, %select_n3A, %dma_start3A_287] : memref<384x8x128xi32, #tpu.memory_space<hbm>> -> memref<8x1x128xi32, #tpu.memory_space<hbm>>
        tpu.enqueue_dma source(%dma_start3A_288 : memref<8x1x128xi32, #tpu.memory_space<hbm>>) target(%dma_start3A_286 : memref<8x1x128xi32, #tpu.memory_space<vmem>>) target_semaphore(%arg11 : memref<!tpu.dma_semaphore, #tpu.memory_space<semaphore_mem>>)
      } else {
      }
      %add3A_200 = arith.constant 2 : i32
      %add3A_201 = arith.addi %scan3A_159, %add3A_200 : i32
      %lt3A_202 = arith.constant 12 : i32
      %lt3A_203 = arith.cmpi slt, %add3A_201, %lt3A_202 : i32
      %eq3A_204 = arith.constant 0 : i32
      %eq3A_205 = arith.cmpi eq, %select_n3A_181, %eq3A_204 : i32
      %and3A_206 = arith.andi %lt3A_203, %eq3A_205 : i1
      %convert_element_type3A_207 = arith.extui %and3A_206 : i1 to i32
      %cond3A_208 = arith.constant 0 : i32
      %cond3A_209 = arith.cmpi ne, %convert_element_type3A_207, %cond3A_208 : i32
      scf.if %cond3A_209 {
        %add3A_231 = arith.constant 2 : i32
        %add3A_232 = arith.addi %scan3A_159, %add3A_231 : i32
        %mul3A_233 = arith.constant 8 : i32
        %mul3A_234 = arith.muli %add3A_232, %mul3A_233 : i32
        %add3A_235 = arith.addi %mul3A_32, %mul3A_234 : i32
        %dma_start3A_236 = arith.constant 2 : i32
        %dma_start3A_237 = arith.constant 0 : i32
        %dma_start3A_238 = arith.constant 0 : i32
        %dma_start3A_239 = arith.constant 0 : i32
        %dma_start3A_240 = tpu.memref_slice %arg6[%dma_start3A_236, %dma_start3A_237, %dma_start3A_238, %dma_start3A_239] : memref<3x8x4x128xf32, #tpu.memory_space<vmem>> -> memref<1x8x4x128xf32, #tpu.memory_space<vmem>>
        %dma_start3A_241 = tpu.memref_squeeze %dma_start3A_240 : memref<1x8x4x128xf32, #tpu.memory_space<vmem>> -> memref<8x4x128xf32, #tpu.memory_space<vmem>>
        %dma_start3A_242 = arith.constant 0 : i32
        %dma_start3A_243 = arith.constant 0 : i32
        %dma_start3A_244 = tpu.memref_slice %arg2[%select_n3A, %add3A_235, %dma_start3A_242, %dma_start3A_243] : memref<8x384x4x128xf32, #tpu.memory_space<hbm>> -> memref<1x8x4x128xf32, #tpu.memory_space<hbm>>
        %dma_start3A_245 = tpu.memref_squeeze %dma_start3A_244 : memref<1x8x4x128xf32, #tpu.memory_space<hbm>> -> memref<8x4x128xf32, #tpu.memory_space<hbm>>
        %dma_start3A_246 = arith.constant 0 : i32
        %dma_start3A_247 = arith.constant 0 : i32
        %dma_start3A_248 = arith.constant 0 : i32
        %dma_start3A_249 = tpu.memref_slice %arg6[%dma_start3A_236, %dma_start3A_246, %dma_start3A_247, %dma_start3A_248] : memref<3x8x4x128xf32, #tpu.memory_space<vmem>> -> memref<1x8x4x128xf32, #tpu.memory_space<vmem>>
        %dma_start3A_250 = tpu.memref_squeeze %dma_start3A_249 : memref<1x8x4x128xf32, #tpu.memory_space<vmem>> -> memref<8x4x128xf32, #tpu.memory_space<vmem>>
        %dma_start3A_251 = arith.constant 0 : i32
        %dma_start3A_252 = arith.constant 0 : i32
        %dma_start3A_253 = tpu.memref_slice %arg2[%select_n3A, %add3A_235, %dma_start3A_251, %dma_start3A_252] : memref<8x384x4x128xf32, #tpu.memory_space<hbm>> -> memref<1x8x4x128xf32, #tpu.memory_space<hbm>>
        %dma_start3A_254 = tpu.memref_squeeze %dma_start3A_253 : memref<1x8x4x128xf32, #tpu.memory_space<hbm>> -> memref<8x4x128xf32, #tpu.memory_space<hbm>>
        tpu.enqueue_dma source(%dma_start3A_254 : memref<8x4x128xf32, #tpu.memory_space<hbm>>) target(%dma_start3A_250 : memref<8x4x128xf32, #tpu.memory_space<vmem>>) target_semaphore(%arg12 : memref<!tpu.dma_semaphore, #tpu.memory_space<semaphore_mem>>)
        %dma_start3A_255 = arith.constant 2 : i32
        %dma_start3A_256 = arith.constant 0 : i32
        %dma_start3A_257 = arith.constant 0 : i32
        %dma_start3A_258 = arith.constant 0 : i32
        %dma_start3A_259 = tpu.memref_slice %arg7[%dma_start3A_255, %dma_start3A_256, %dma_start3A_257, %dma_start3A_258] : memref<3x8x4x128xf32, #tpu.memory_space<vmem>> -> memref<1x8x4x128xf32, #tpu.memory_space<vmem>>
        %dma_start3A_260 = tpu.memref_squeeze %dma_start3A_259 : memref<1x8x4x128xf32, #tpu.memory_space<vmem>> -> memref<8x4x128xf32, #tpu.memory_space<vmem>>
        %dma_start3A_261 = arith.constant 0 : i32
        %dma_start3A_262 = arith.constant 0 : i32
        %dma_start3A_263 = tpu.memref_slice %arg3[%select_n3A, %add3A_235, %dma_start3A_261, %dma_start3A_262] : memref<8x384x4x128xf32, #tpu.memory_space<hbm>> -> memref<1x8x4x128xf32, #tpu.memory_space<hbm>>
        %dma_start3A_264 = tpu.memref_squeeze %dma_start3A_263 : memref<1x8x4x128xf32, #tpu.memory_space<hbm>> -> memref<8x4x128xf32, #tpu.memory_space<hbm>>
        %dma_start3A_265 = arith.constant 0 : i32
        %dma_start3A_266 = arith.constant 0 : i32
        %dma_start3A_267 = arith.constant 0 : i32
        %dma_start3A_268 = tpu.memref_slice %arg7[%dma_start3A_255, %dma_start3A_265, %dma_start3A_266, %dma_start3A_267] : memref<3x8x4x128xf32, #tpu.memory_space<vmem>> -> memref<1x8x4x128xf32, #tpu.memory_space<vmem>>
        %dma_start3A_269 = tpu.memref_squeeze %dma_start3A_268 : memref<1x8x4x128xf32, #tpu.memory_space<vmem>> -> memref<8x4x128xf32, #tpu.memory_space<vmem>>
        %dma_start3A_270 = arith.constant 0 : i32
        %dma_start3A_271 = arith.constant 0 : i32
        %dma_start3A_272 = tpu.memref_slice %arg3[%select_n3A, %add3A_235, %dma_start3A_270, %dma_start3A_271] : memref<8x384x4x128xf32, #tpu.memory_space<hbm>> -> memref<1x8x4x128xf32, #tpu.memory_space<hbm>>
        %dma_start3A_273 = tpu.memref_squeeze %dma_start3A_272 : memref<1x8x4x128xf32, #tpu.memory_space<hbm>> -> memref<8x4x128xf32, #tpu.memory_space<hbm>>
        tpu.enqueue_dma source(%dma_start3A_273 : memref<8x4x128xf32, #tpu.memory_space<hbm>>) target(%dma_start3A_269 : memref<8x4x128xf32, #tpu.memory_space<vmem>>) target_semaphore(%arg12 : memref<!tpu.dma_semaphore, #tpu.memory_space<semaphore_mem>>)
        %dma_start3A_274 = arith.constant 2 : i32
        %dma_start3A_275 = arith.constant 0 : i32
        %dma_start3A_276 = arith.constant 0 : i32
        %dma_start3A_277 = arith.constant 0 : i32
        %dma_start3A_278 = tpu.memref_slice %arg8[%dma_start3A_274, %dma_start3A_275, %dma_start3A_276, %dma_start3A_277] : memref<3x8x1x128xi32, #tpu.memory_space<vmem>> -> memref<1x8x1x128xi32, #tpu.memory_space<vmem>>
        %dma_start3A_279 = tpu.memref_squeeze %dma_start3A_278 : memref<1x8x1x128xi32, #tpu.memory_space<vmem>> -> memref<8x1x128xi32, #tpu.memory_space<vmem>>
        %dma_start3A_280 = arith.constant 0 : i32
        %dma_start3A_281 = tpu.memref_slice %arg4[%add3A_235, %select_n3A, %dma_start3A_280] : memref<384x8x128xi32, #tpu.memory_space<hbm>> -> memref<8x1x128xi32, #tpu.memory_space<hbm>>
        %dma_start3A_282 = arith.constant 0 : i32
        %dma_start3A_283 = arith.constant 0 : i32
        %dma_start3A_284 = arith.constant 0 : i32
        %dma_start3A_285 = tpu.memref_slice %arg8[%dma_start3A_274, %dma_start3A_282, %dma_start3A_283, %dma_start3A_284] : memref<3x8x1x128xi32, #tpu.memory_space<vmem>> -> memref<1x8x1x128xi32, #tpu.memory_space<vmem>>
        %dma_start3A_286 = tpu.memref_squeeze %dma_start3A_285 : memref<1x8x1x128xi32, #tpu.memory_space<vmem>> -> memref<8x1x128xi32, #tpu.memory_space<vmem>>
        %dma_start3A_287 = arith.constant 0 : i32
        %dma_start3A_288 = tpu.memref_slice %arg4[%add3A_235, %select_n3A, %dma_start3A_287] : memref<384x8x128xi32, #tpu.memory_space<hbm>> -> memref<8x1x128xi32, #tpu.memory_space<hbm>>
        tpu.enqueue_dma source(%dma_start3A_288 : memref<8x1x128xi32, #tpu.memory_space<hbm>>) target(%dma_start3A_286 : memref<8x1x128xi32, #tpu.memory_space<vmem>>) target_semaphore(%arg12 : memref<!tpu.dma_semaphore, #tpu.memory_space<semaphore_mem>>)
      } else {
      }
      %eq3A_210 = arith.constant 0 : i32
      %eq3A_211 = arith.cmpi eq, %select_n3A_181, %eq3A_210 : i32
      %convert_element_type3A_212 = arith.extui %eq3A_211 : i1 to i32
      %cond3A_213 = arith.constant 0 : i32
      %cond3A_214 = arith.cmpi ne, %convert_element_type3A_212, %cond3A_213 : i32
      scf.if %cond3A_214 {
        %dma_wait3A = arith.constant 0 : i32
        %dma_wait3A_231 = arith.constant 0 : i32
        %dma_wait3A_232 = arith.constant 0 : i32
        %dma_wait3A_233 = arith.constant 0 : i32
        %dma_wait3A_234 = tpu.memref_slice %arg6[%dma_wait3A, %dma_wait3A_231, %dma_wait3A_232, %dma_wait3A_233] : memref<3x8x4x128xf32, #tpu.memory_space<vmem>> -> memref<1x8x4x128xf32, #tpu.memory_space<vmem>>
        %dma_wait3A_235 = tpu.memref_squeeze %dma_wait3A_234 : memref<1x8x4x128xf32, #tpu.memory_space<vmem>> -> memref<8x4x128xf32, #tpu.memory_space<vmem>>
        %dma_wait3A_236 = arith.constant 0 : i32
        %dma_wait3A_237 = arith.constant 0 : i32
        %dma_wait3A_238 = tpu.memref_slice %arg2[%select_n3A, %mul3A_32, %dma_wait3A_236, %dma_wait3A_237] : memref<8x384x4x128xf32, #tpu.memory_space<hbm>> -> memref<1x8x4x128xf32, #tpu.memory_space<hbm>>
        %dma_wait3A_239 = tpu.memref_squeeze %dma_wait3A_238 : memref<1x8x4x128xf32, #tpu.memory_space<hbm>> -> memref<8x4x128xf32, #tpu.memory_space<hbm>>
        %dma_wait3A_240 = arith.constant 0 : i32
        %dma_wait3A_241 = arith.constant 0 : i32
        %dma_wait3A_242 = arith.constant 0 : i32
        %dma_wait3A_243 = tpu.memref_slice %arg6[%dma_wait3A, %dma_wait3A_240, %dma_wait3A_241, %dma_wait3A_242] : memref<3x8x4x128xf32, #tpu.memory_space<vmem>> -> memref<1x8x4x128xf32, #tpu.memory_space<vmem>>
        %dma_wait3A_244 = tpu.memref_squeeze %dma_wait3A_243 : memref<1x8x4x128xf32, #tpu.memory_space<vmem>> -> memref<8x4x128xf32, #tpu.memory_space<vmem>>
        %dma_wait3A_245 = arith.constant 0 : i32
        %dma_wait3A_246 = arith.constant 0 : i32
        %dma_wait3A_247 = tpu.memref_slice %arg2[%select_n3A, %mul3A_32, %dma_wait3A_245, %dma_wait3A_246] : memref<8x384x4x128xf32, #tpu.memory_space<hbm>> -> memref<1x8x4x128xf32, #tpu.memory_space<hbm>>
        %dma_wait3A_248 = tpu.memref_squeeze %dma_wait3A_247 : memref<1x8x4x128xf32, #tpu.memory_space<hbm>> -> memref<8x4x128xf32, #tpu.memory_space<hbm>>
        tpu.wait_dma2 semaphore(%arg10 : memref<!tpu.dma_semaphore, #tpu.memory_space<semaphore_mem>>) src(%dma_wait3A_248 : memref<8x4x128xf32, #tpu.memory_space<hbm>>) dst(%dma_wait3A_244 : memref<8x4x128xf32, #tpu.memory_space<vmem>>)
        %dma_wait3A_249 = arith.constant 0 : i32
        %dma_wait3A_250 = arith.constant 0 : i32
        %dma_wait3A_251 = arith.constant 0 : i32
        %dma_wait3A_252 = arith.constant 0 : i32
        %dma_wait3A_253 = tpu.memref_slice %arg7[%dma_wait3A_249, %dma_wait3A_250, %dma_wait3A_251, %dma_wait3A_252] : memref<3x8x4x128xf32, #tpu.memory_space<vmem>> -> memref<1x8x4x128xf32, #tpu.memory_space<vmem>>
        %dma_wait3A_254 = tpu.memref_squeeze %dma_wait3A_253 : memref<1x8x4x128xf32, #tpu.memory_space<vmem>> -> memref<8x4x128xf32, #tpu.memory_space<vmem>>
        %dma_wait3A_255 = arith.constant 0 : i32
        %dma_wait3A_256 = arith.constant 0 : i32
        %dma_wait3A_257 = tpu.memref_slice %arg3[%select_n3A, %mul3A_32, %dma_wait3A_255, %dma_wait3A_256] : memref<8x384x4x128xf32, #tpu.memory_space<hbm>> -> memref<1x8x4x128xf32, #tpu.memory_space<hbm>>
        %dma_wait3A_258 = tpu.memref_squeeze %dma_wait3A_257 : memref<1x8x4x128xf32, #tpu.memory_space<hbm>> -> memref<8x4x128xf32, #tpu.memory_space<hbm>>
        %dma_wait3A_259 = arith.constant 0 : i32
        %dma_wait3A_260 = arith.constant 0 : i32
        %dma_wait3A_261 = arith.constant 0 : i32
        %dma_wait3A_262 = tpu.memref_slice %arg7[%dma_wait3A_249, %dma_wait3A_259, %dma_wait3A_260, %dma_wait3A_261] : memref<3x8x4x128xf32, #tpu.memory_space<vmem>> -> memref<1x8x4x128xf32, #tpu.memory_space<vmem>>
        %dma_wait3A_263 = tpu.memref_squeeze %dma_wait3A_262 : memref<1x8x4x128xf32, #tpu.memory_space<vmem>> -> memref<8x4x128xf32, #tpu.memory_space<vmem>>
        %dma_wait3A_264 = arith.constant 0 : i32
        %dma_wait3A_265 = arith.constant 0 : i32
        %dma_wait3A_266 = tpu.memref_slice %arg3[%select_n3A, %mul3A_32, %dma_wait3A_264, %dma_wait3A_265] : memref<8x384x4x128xf32, #tpu.memory_space<hbm>> -> memref<1x8x4x128xf32, #tpu.memory_space<hbm>>
        %dma_wait3A_267 = tpu.memref_squeeze %dma_wait3A_266 : memref<1x8x4x128xf32, #tpu.memory_space<hbm>> -> memref<8x4x128xf32, #tpu.memory_space<hbm>>
        tpu.wait_dma2 semaphore(%arg10 : memref<!tpu.dma_semaphore, #tpu.memory_space<semaphore_mem>>) src(%dma_wait3A_267 : memref<8x4x128xf32, #tpu.memory_space<hbm>>) dst(%dma_wait3A_263 : memref<8x4x128xf32, #tpu.memory_space<vmem>>)
        %dma_wait3A_268 = arith.constant 0 : i32
        %dma_wait3A_269 = arith.constant 0 : i32
        %dma_wait3A_270 = arith.constant 0 : i32
        %dma_wait3A_271 = arith.constant 0 : i32
        %dma_wait3A_272 = tpu.memref_slice %arg8[%dma_wait3A_268, %dma_wait3A_269, %dma_wait3A_270, %dma_wait3A_271] : memref<3x8x1x128xi32, #tpu.memory_space<vmem>> -> memref<1x8x1x128xi32, #tpu.memory_space<vmem>>
        %dma_wait3A_273 = tpu.memref_squeeze %dma_wait3A_272 : memref<1x8x1x128xi32, #tpu.memory_space<vmem>> -> memref<8x1x128xi32, #tpu.memory_space<vmem>>
        %dma_wait3A_274 = arith.constant 0 : i32
        %dma_wait3A_275 = tpu.memref_slice %arg4[%mul3A_32, %select_n3A, %dma_wait3A_274] : memref<384x8x128xi32, #tpu.memory_space<hbm>> -> memref<8x1x128xi32, #tpu.memory_space<hbm>>
        %dma_wait3A_276 = arith.constant 0 : i32
        %dma_wait3A_277 = arith.constant 0 : i32
        %dma_wait3A_278 = arith.constant 0 : i32
        %dma_wait3A_279 = tpu.memref_slice %arg8[%dma_wait3A_268, %dma_wait3A_276, %dma_wait3A_277, %dma_wait3A_278] : memref<3x8x1x128xi32, #tpu.memory_space<vmem>> -> memref<1x8x1x128xi32, #tpu.memory_space<vmem>>
        %dma_wait3A_280 = tpu.memref_squeeze %dma_wait3A_279 : memref<1x8x1x128xi32, #tpu.memory_space<vmem>> -> memref<8x1x128xi32, #tpu.memory_space<vmem>>
        %dma_wait3A_281 = arith.constant 0 : i32
        %dma_wait3A_282 = tpu.memref_slice %arg4[%mul3A_32, %select_n3A, %dma_wait3A_281] : memref<384x8x128xi32, #tpu.memory_space<hbm>> -> memref<8x1x128xi32, #tpu.memory_space<hbm>>
        tpu.wait_dma2 semaphore(%arg10 : memref<!tpu.dma_semaphore, #tpu.memory_space<semaphore_mem>>) src(%dma_wait3A_282 : memref<8x1x128xi32, #tpu.memory_space<hbm>>) dst(%dma_wait3A_280 : memref<8x1x128xi32, #tpu.memory_space<vmem>>)
      } else {
      }
      %eq3A_215 = arith.constant 1 : i32
      %eq3A_216 = arith.cmpi eq, %select_n3A_181, %eq3A_215 : i32
      %convert_element_type3A_217 = arith.extui %eq3A_216 : i1 to i32
      %cond3A_218 = arith.constant 0 : i32
      %cond3A_219 = arith.cmpi ne, %convert_element_type3A_217, %cond3A_218 : i32
      scf.if %cond3A_219 {
        %dma_wait3A = arith.constant 1 : i32
        %dma_wait3A_231 = arith.constant 0 : i32
        %dma_wait3A_232 = arith.constant 0 : i32
        %dma_wait3A_233 = arith.constant 0 : i32
        %dma_wait3A_234 = tpu.memref_slice %arg6[%dma_wait3A, %dma_wait3A_231, %dma_wait3A_232, %dma_wait3A_233] : memref<3x8x4x128xf32, #tpu.memory_space<vmem>> -> memref<1x8x4x128xf32, #tpu.memory_space<vmem>>
        %dma_wait3A_235 = tpu.memref_squeeze %dma_wait3A_234 : memref<1x8x4x128xf32, #tpu.memory_space<vmem>> -> memref<8x4x128xf32, #tpu.memory_space<vmem>>
        %dma_wait3A_236 = arith.constant 0 : i32
        %dma_wait3A_237 = arith.constant 0 : i32
        %dma_wait3A_238 = tpu.memref_slice %arg2[%select_n3A, %mul3A_32, %dma_wait3A_236, %dma_wait3A_237] : memref<8x384x4x128xf32, #tpu.memory_space<hbm>> -> memref<1x8x4x128xf32, #tpu.memory_space<hbm>>
        %dma_wait3A_239 = tpu.memref_squeeze %dma_wait3A_238 : memref<1x8x4x128xf32, #tpu.memory_space<hbm>> -> memref<8x4x128xf32, #tpu.memory_space<hbm>>
        %dma_wait3A_240 = arith.constant 0 : i32
        %dma_wait3A_241 = arith.constant 0 : i32
        %dma_wait3A_242 = arith.constant 0 : i32
        %dma_wait3A_243 = tpu.memref_slice %arg6[%dma_wait3A, %dma_wait3A_240, %dma_wait3A_241, %dma_wait3A_242] : memref<3x8x4x128xf32, #tpu.memory_space<vmem>> -> memref<1x8x4x128xf32, #tpu.memory_space<vmem>>
        %dma_wait3A_244 = tpu.memref_squeeze %dma_wait3A_243 : memref<1x8x4x128xf32, #tpu.memory_space<vmem>> -> memref<8x4x128xf32, #tpu.memory_space<vmem>>
        %dma_wait3A_245 = arith.constant 0 : i32
        %dma_wait3A_246 = arith.constant 0 : i32
        %dma_wait3A_247 = tpu.memref_slice %arg2[%select_n3A, %mul3A_32, %dma_wait3A_245, %dma_wait3A_246] : memref<8x384x4x128xf32, #tpu.memory_space<hbm>> -> memref<1x8x4x128xf32, #tpu.memory_space<hbm>>
        %dma_wait3A_248 = tpu.memref_squeeze %dma_wait3A_247 : memref<1x8x4x128xf32, #tpu.memory_space<hbm>> -> memref<8x4x128xf32, #tpu.memory_space<hbm>>
        tpu.wait_dma2 semaphore(%arg11 : memref<!tpu.dma_semaphore, #tpu.memory_space<semaphore_mem>>) src(%dma_wait3A_248 : memref<8x4x128xf32, #tpu.memory_space<hbm>>) dst(%dma_wait3A_244 : memref<8x4x128xf32, #tpu.memory_space<vmem>>)
        %dma_wait3A_249 = arith.constant 1 : i32
        %dma_wait3A_250 = arith.constant 0 : i32
        %dma_wait3A_251 = arith.constant 0 : i32
        %dma_wait3A_252 = arith.constant 0 : i32
        %dma_wait3A_253 = tpu.memref_slice %arg7[%dma_wait3A_249, %dma_wait3A_250, %dma_wait3A_251, %dma_wait3A_252] : memref<3x8x4x128xf32, #tpu.memory_space<vmem>> -> memref<1x8x4x128xf32, #tpu.memory_space<vmem>>
        %dma_wait3A_254 = tpu.memref_squeeze %dma_wait3A_253 : memref<1x8x4x128xf32, #tpu.memory_space<vmem>> -> memref<8x4x128xf32, #tpu.memory_space<vmem>>
        %dma_wait3A_255 = arith.constant 0 : i32
        %dma_wait3A_256 = arith.constant 0 : i32
        %dma_wait3A_257 = tpu.memref_slice %arg3[%select_n3A, %mul3A_32, %dma_wait3A_255, %dma_wait3A_256] : memref<8x384x4x128xf32, #tpu.memory_space<hbm>> -> memref<1x8x4x128xf32, #tpu.memory_space<hbm>>
        %dma_wait3A_258 = tpu.memref_squeeze %dma_wait3A_257 : memref<1x8x4x128xf32, #tpu.memory_space<hbm>> -> memref<8x4x128xf32, #tpu.memory_space<hbm>>
        %dma_wait3A_259 = arith.constant 0 : i32
        %dma_wait3A_260 = arith.constant 0 : i32
        %dma_wait3A_261 = arith.constant 0 : i32
        %dma_wait3A_262 = tpu.memref_slice %arg7[%dma_wait3A_249, %dma_wait3A_259, %dma_wait3A_260, %dma_wait3A_261] : memref<3x8x4x128xf32, #tpu.memory_space<vmem>> -> memref<1x8x4x128xf32, #tpu.memory_space<vmem>>
        %dma_wait3A_263 = tpu.memref_squeeze %dma_wait3A_262 : memref<1x8x4x128xf32, #tpu.memory_space<vmem>> -> memref<8x4x128xf32, #tpu.memory_space<vmem>>
        %dma_wait3A_264 = arith.constant 0 : i32
        %dma_wait3A_265 = arith.constant 0 : i32
        %dma_wait3A_266 = tpu.memref_slice %arg3[%select_n3A, %mul3A_32, %dma_wait3A_264, %dma_wait3A_265] : memref<8x384x4x128xf32, #tpu.memory_space<hbm>> -> memref<1x8x4x128xf32, #tpu.memory_space<hbm>>
        %dma_wait3A_267 = tpu.memref_squeeze %dma_wait3A_266 : memref<1x8x4x128xf32, #tpu.memory_space<hbm>> -> memref<8x4x128xf32, #tpu.memory_space<hbm>>
        tpu.wait_dma2 semaphore(%arg11 : memref<!tpu.dma_semaphore, #tpu.memory_space<semaphore_mem>>) src(%dma_wait3A_267 : memref<8x4x128xf32, #tpu.memory_space<hbm>>) dst(%dma_wait3A_263 : memref<8x4x128xf32, #tpu.memory_space<vmem>>)
        %dma_wait3A_268 = arith.constant 1 : i32
        %dma_wait3A_269 = arith.constant 0 : i32
        %dma_wait3A_270 = arith.constant 0 : i32
        %dma_wait3A_271 = arith.constant 0 : i32
        %dma_wait3A_272 = tpu.memref_slice %arg8[%dma_wait3A_268, %dma_wait3A_269, %dma_wait3A_270, %dma_wait3A_271] : memref<3x8x1x128xi32, #tpu.memory_space<vmem>> -> memref<1x8x1x128xi32, #tpu.memory_space<vmem>>
        %dma_wait3A_273 = tpu.memref_squeeze %dma_wait3A_272 : memref<1x8x1x128xi32, #tpu.memory_space<vmem>> -> memref<8x1x128xi32, #tpu.memory_space<vmem>>
        %dma_wait3A_274 = arith.constant 0 : i32
        %dma_wait3A_275 = tpu.memref_slice %arg4[%mul3A_32, %select_n3A, %dma_wait3A_274] : memref<384x8x128xi32, #tpu.memory_space<hbm>> -> memref<8x1x128xi32, #tpu.memory_space<hbm>>
        %dma_wait3A_276 = arith.constant 0 : i32
        %dma_wait3A_277 = arith.constant 0 : i32
        %dma_wait3A_278 = arith.constant 0 : i32
        %dma_wait3A_279 = tpu.memref_slice %arg8[%dma_wait3A_268, %dma_wait3A_276, %dma_wait3A_277, %dma_wait3A_278] : memref<3x8x1x128xi32, #tpu.memory_space<vmem>> -> memref<1x8x1x128xi32, #tpu.memory_space<vmem>>
        %dma_wait3A_280 = tpu.memref_squeeze %dma_wait3A_279 : memref<1x8x1x128xi32, #tpu.memory_space<vmem>> -> memref<8x1x128xi32, #tpu.memory_space<vmem>>
        %dma_wait3A_281 = arith.constant 0 : i32
        %dma_wait3A_282 = tpu.memref_slice %arg4[%mul3A_32, %select_n3A, %dma_wait3A_281] : memref<384x8x128xi32, #tpu.memory_space<hbm>> -> memref<8x1x128xi32, #tpu.memory_space<hbm>>
        tpu.wait_dma2 semaphore(%arg11 : memref<!tpu.dma_semaphore, #tpu.memory_space<semaphore_mem>>) src(%dma_wait3A_282 : memref<8x1x128xi32, #tpu.memory_space<hbm>>) dst(%dma_wait3A_280 : memref<8x1x128xi32, #tpu.memory_space<vmem>>)
      } else {
      }
      %eq3A_220 = arith.constant 2 : i32
      %eq3A_221 = arith.cmpi eq, %select_n3A_181, %eq3A_220 : i32
      %convert_element_type3A_222 = arith.extui %eq3A_221 : i1 to i32
      %cond3A_223 = arith.constant 0 : i32
      %cond3A_224 = arith.cmpi ne, %convert_element_type3A_222, %cond3A_223 : i32
      scf.if %cond3A_224 {
        %dma_wait3A = arith.constant 2 : i32
        %dma_wait3A_231 = arith.constant 0 : i32
        %dma_wait3A_232 = arith.constant 0 : i32
        %dma_wait3A_233 = arith.constant 0 : i32
        %dma_wait3A_234 = tpu.memref_slice %arg6[%dma_wait3A, %dma_wait3A_231, %dma_wait3A_232, %dma_wait3A_233] : memref<3x8x4x128xf32, #tpu.memory_space<vmem>> -> memref<1x8x4x128xf32, #tpu.memory_space<vmem>>
        %dma_wait3A_235 = tpu.memref_squeeze %dma_wait3A_234 : memref<1x8x4x128xf32, #tpu.memory_space<vmem>> -> memref<8x4x128xf32, #tpu.memory_space<vmem>>
        %dma_wait3A_236 = arith.constant 0 : i32
        %dma_wait3A_237 = arith.constant 0 : i32
        %dma_wait3A_238 = tpu.memref_slice %arg2[%select_n3A, %mul3A_32, %dma_wait3A_236, %dma_wait3A_237] : memref<8x384x4x128xf32, #tpu.memory_space<hbm>> -> memref<1x8x4x128xf32, #tpu.memory_space<hbm>>
        %dma_wait3A_239 = tpu.memref_squeeze %dma_wait3A_238 : memref<1x8x4x128xf32, #tpu.memory_space<hbm>> -> memref<8x4x128xf32, #tpu.memory_space<hbm>>
        %dma_wait3A_240 = arith.constant 0 : i32
        %dma_wait3A_241 = arith.constant 0 : i32
        %dma_wait3A_242 = arith.constant 0 : i32
        %dma_wait3A_243 = tpu.memref_slice %arg6[%dma_wait3A, %dma_wait3A_240, %dma_wait3A_241, %dma_wait3A_242] : memref<3x8x4x128xf32, #tpu.memory_space<vmem>> -> memref<1x8x4x128xf32, #tpu.memory_space<vmem>>
        %dma_wait3A_244 = tpu.memref_squeeze %dma_wait3A_243 : memref<1x8x4x128xf32, #tpu.memory_space<vmem>> -> memref<8x4x128xf32, #tpu.memory_space<vmem>>
        %dma_wait3A_245 = arith.constant 0 : i32
        %dma_wait3A_246 = arith.constant 0 : i32
        %dma_wait3A_247 = tpu.memref_slice %arg2[%select_n3A, %mul3A_32, %dma_wait3A_245, %dma_wait3A_246] : memref<8x384x4x128xf32, #tpu.memory_space<hbm>> -> memref<1x8x4x128xf32, #tpu.memory_space<hbm>>
        %dma_wait3A_248 = tpu.memref_squeeze %dma_wait3A_247 : memref<1x8x4x128xf32, #tpu.memory_space<hbm>> -> memref<8x4x128xf32, #tpu.memory_space<hbm>>
        tpu.wait_dma2 semaphore(%arg12 : memref<!tpu.dma_semaphore, #tpu.memory_space<semaphore_mem>>) src(%dma_wait3A_248 : memref<8x4x128xf32, #tpu.memory_space<hbm>>) dst(%dma_wait3A_244 : memref<8x4x128xf32, #tpu.memory_space<vmem>>)
        %dma_wait3A_249 = arith.constant 2 : i32
        %dma_wait3A_250 = arith.constant 0 : i32
        %dma_wait3A_251 = arith.constant 0 : i32
        %dma_wait3A_252 = arith.constant 0 : i32
        %dma_wait3A_253 = tpu.memref_slice %arg7[%dma_wait3A_249, %dma_wait3A_250, %dma_wait3A_251, %dma_wait3A_252] : memref<3x8x4x128xf32, #tpu.memory_space<vmem>> -> memref<1x8x4x128xf32, #tpu.memory_space<vmem>>
        %dma_wait3A_254 = tpu.memref_squeeze %dma_wait3A_253 : memref<1x8x4x128xf32, #tpu.memory_space<vmem>> -> memref<8x4x128xf32, #tpu.memory_space<vmem>>
        %dma_wait3A_255 = arith.constant 0 : i32
        %dma_wait3A_256 = arith.constant 0 : i32
        %dma_wait3A_257 = tpu.memref_slice %arg3[%select_n3A, %mul3A_32, %dma_wait3A_255, %dma_wait3A_256] : memref<8x384x4x128xf32, #tpu.memory_space<hbm>> -> memref<1x8x4x128xf32, #tpu.memory_space<hbm>>
        %dma_wait3A_258 = tpu.memref_squeeze %dma_wait3A_257 : memref<1x8x4x128xf32, #tpu.memory_space<hbm>> -> memref<8x4x128xf32, #tpu.memory_space<hbm>>
        %dma_wait3A_259 = arith.constant 0 : i32
        %dma_wait3A_260 = arith.constant 0 : i32
        %dma_wait3A_261 = arith.constant 0 : i32
        %dma_wait3A_262 = tpu.memref_slice %arg7[%dma_wait3A_249, %dma_wait3A_259, %dma_wait3A_260, %dma_wait3A_261] : memref<3x8x4x128xf32, #tpu.memory_space<vmem>> -> memref<1x8x4x128xf32, #tpu.memory_space<vmem>>
        %dma_wait3A_263 = tpu.memref_squeeze %dma_wait3A_262 : memref<1x8x4x128xf32, #tpu.memory_space<vmem>> -> memref<8x4x128xf32, #tpu.memory_space<vmem>>
        %dma_wait3A_264 = arith.constant 0 : i32
        %dma_wait3A_265 = arith.constant 0 : i32
        %dma_wait3A_266 = tpu.memref_slice %arg3[%select_n3A, %mul3A_32, %dma_wait3A_264, %dma_wait3A_265] : memref<8x384x4x128xf32, #tpu.memory_space<hbm>> -> memref<1x8x4x128xf32, #tpu.memory_space<hbm>>
        %dma_wait3A_267 = tpu.memref_squeeze %dma_wait3A_266 : memref<1x8x4x128xf32, #tpu.memory_space<hbm>> -> memref<8x4x128xf32, #tpu.memory_space<hbm>>
        tpu.wait_dma2 semaphore(%arg12 : memref<!tpu.dma_semaphore, #tpu.memory_space<semaphore_mem>>) src(%dma_wait3A_267 : memref<8x4x128xf32, #tpu.memory_space<hbm>>) dst(%dma_wait3A_263 : memref<8x4x128xf32, #tpu.memory_space<vmem>>)
        %dma_wait3A_268 = arith.constant 2 : i32
        %dma_wait3A_269 = arith.constant 0 : i32
        %dma_wait3A_270 = arith.constant 0 : i32
        %dma_wait3A_271 = arith.constant 0 : i32
        %dma_wait3A_272 = tpu.memref_slice %arg8[%dma_wait3A_268, %dma_wait3A_269, %dma_wait3A_270, %dma_wait3A_271] : memref<3x8x1x128xi32, #tpu.memory_space<vmem>> -> memref<1x8x1x128xi32, #tpu.memory_space<vmem>>
        %dma_wait3A_273 = tpu.memref_squeeze %dma_wait3A_272 : memref<1x8x1x128xi32, #tpu.memory_space<vmem>> -> memref<8x1x128xi32, #tpu.memory_space<vmem>>
        %dma_wait3A_274 = arith.constant 0 : i32
        %dma_wait3A_275 = tpu.memref_slice %arg4[%mul3A_32, %select_n3A, %dma_wait3A_274] : memref<384x8x128xi32, #tpu.memory_space<hbm>> -> memref<8x1x128xi32, #tpu.memory_space<hbm>>
        %dma_wait3A_276 = arith.constant 0 : i32
        %dma_wait3A_277 = arith.constant 0 : i32
        %dma_wait3A_278 = arith.constant 0 : i32
        %dma_wait3A_279 = tpu.memref_slice %arg8[%dma_wait3A_268, %dma_wait3A_276, %dma_wait3A_277, %dma_wait3A_278] : memref<3x8x1x128xi32, #tpu.memory_space<vmem>> -> memref<1x8x1x128xi32, #tpu.memory_space<vmem>>
        %dma_wait3A_280 = tpu.memref_squeeze %dma_wait3A_279 : memref<1x8x1x128xi32, #tpu.memory_space<vmem>> -> memref<8x1x128xi32, #tpu.memory_space<vmem>>
        %dma_wait3A_281 = arith.constant 0 : i32
        %dma_wait3A_282 = tpu.memref_slice %arg4[%mul3A_32, %select_n3A, %dma_wait3A_281] : memref<384x8x128xi32, #tpu.memory_space<hbm>> -> memref<8x1x128xi32, #tpu.memory_space<hbm>>
        tpu.wait_dma2 semaphore(%arg12 : memref<!tpu.dma_semaphore, #tpu.memory_space<semaphore_mem>>) src(%dma_wait3A_282 : memref<8x1x128xi32, #tpu.memory_space<hbm>>) dst(%dma_wait3A_280 : memref<8x1x128xi32, #tpu.memory_space<vmem>>)
      } else {
      }
      %scan3A_225 = arith.constant 0 : i32
      %scan3A_226 = arith.constant 8 : i32
      %scan3A_227 = arith.addi %scan3A_225, %scan3A_226 : i32
      %scan3A_228 = arith.constant 1 : i32
      %scan3A_229:6 = scf.for %scan3A_231 = %scan3A_225 to %scan3A_227 step %scan3A_228 iter_args(%scan3A_232 = %scan3A_160, %scan3A_233 = %scan3A_161, %scan3A_234 = %scan3A_162, %scan3A_235 = %scan3A_163, %scan3A_236 = %scan3A_164, %scan3A_237 = %scan3A_165) -> (vector<16xf32>, vector<16xf32>, vector<16xf32>, vector<16xf32>, vector<16xf32>, vector<16xf32>)  : i32 {
        %get3A = arith.constant 0 : i32
        %get3A_238 = arith.constant 0 : i32
        %get3A_239 = arith.constant 0 : i32
        %get3A_240 = arith.constant 0 : i32
        %get3A_241 = tpu.memref_slice %arg8[%select_n3A_181, %get3A_238, %get3A_239, %get3A_240] : memref<3x8x1x128xi32, #tpu.memory_space<vmem>> -> memref<1x8x1x128xi32, #tpu.memory_space<vmem>>
        %get3A_242 = tpu.memref_squeeze %get3A_241 : memref<1x8x1x128xi32, #tpu.memory_space<vmem>> -> memref<8x1x128xi32, #tpu.memory_space<vmem>>
        %get3A_243 = arith.index_cast %scan3A_231 : i32 to index
        %get3A_244 = arith.index_cast %get3A : i32 to index
        %get3A_245 = arith.constant 0 : index
        %get3A_246 = tpu.vector_load %get3A_242[%get3A_243, %get3A_244, %get3A_245] {strides = array<i32>} : memref<8x1x128xi32, #tpu.memory_space<vmem>>, vector<16xi32>,
        %convert_element_type3A_247 = arith.sitofp %get3A_246 : vector<16xi32> to vector<16xf32>
        %add3A_248 = arith.addf %scan3A_236, %convert_element_type3A_247 : vector<16xf32>
        %get3A_249 = arith.constant 0 : i32
        %get3A_250 = arith.constant 0 : i32
        %get3A_251 = arith.constant 0 : i32
        %get3A_252 = arith.constant 0 : i32
        %get3A_253 = tpu.memref_slice %arg6[%select_n3A_181, %get3A_250, %get3A_251, %get3A_252] : memref<3x8x4x128xf32, #tpu.memory_space<vmem>> -> memref<1x8x4x128xf32, #tpu.memory_space<vmem>>
        %get3A_254 = tpu.memref_squeeze %get3A_253 : memref<1x8x4x128xf32, #tpu.memory_space<vmem>> -> memref<8x4x128xf32, #tpu.memory_space<vmem>>
        %get3A_255 = arith.index_cast %scan3A_231 : i32 to index
        %get3A_256 = arith.index_cast %get3A_249 : i32 to index
        %get3A_257 = arith.constant 0 : index
        %get3A_258 = tpu.vector_load %get3A_254[%get3A_255, %get3A_256, %get3A_257] {strides = array<i32>} : memref<8x4x128xf32, #tpu.memory_space<vmem>>, vector<16xf32>,
        %get3A_259 = arith.constant 0 : i32
        %get3A_260 = arith.constant 0 : i32
        %get3A_261 = arith.constant 0 : i32
        %get3A_262 = arith.constant 0 : i32
        %get3A_263 = tpu.memref_slice %arg7[%select_n3A_181, %get3A_260, %get3A_261, %get3A_262] : memref<3x8x4x128xf32, #tpu.memory_space<vmem>> -> memref<1x8x4x128xf32, #tpu.memory_space<vmem>>
        %get3A_264 = tpu.memref_squeeze %get3A_263 : memref<1x8x4x128xf32, #tpu.memory_space<vmem>> -> memref<8x4x128xf32, #tpu.memory_space<vmem>>
        %get3A_265 = arith.index_cast %scan3A_231 : i32 to index
        %get3A_266 = arith.index_cast %get3A_259 : i32 to index
        %get3A_267 = arith.constant 0 : index
        %get3A_268 = tpu.vector_load %get3A_264[%get3A_265, %get3A_266, %get3A_267] {strides = array<i32>} : memref<8x4x128xf32, #tpu.memory_space<vmem>>, vector<16xf32>,
        %sub3A_269 = arith.subf %get3A_258, %get3A_268 : vector<16xf32>
        %abs3A = math.absf %sub3A_269 : vector<16xf32>
        %min3A = arith.constant 1.000000e+00 : f32
        %min3A_270 = vector.broadcast %min3A : f32 to vector<16xf32>
        %min3A_271 = arith.minimumf %abs3A, %min3A_270 : vector<16xf32>
        %add3A_272 = arith.addf %abs3A, %abs3A : vector<16xf32>
        %sub3A_273 = arith.subf %add3A_272, %min3A_271 : vector<16xf32>
        %mul3A_274 = arith.mulf %min3A_271, %sub3A_273 : vector<16xf32>
        %get3A_275 = arith.constant 1 : i32
        %get3A_276 = arith.constant 0 : i32
        %get3A_277 = arith.constant 0 : i32
        %get3A_278 = arith.constant 0 : i32
        %get3A_279 = tpu.memref_slice %arg6[%select_n3A_181, %get3A_276, %get3A_277, %get3A_278] : memref<3x8x4x128xf32, #tpu.memory_space<vmem>> -> memref<1x8x4x128xf32, #tpu.memory_space<vmem>>
        %get3A_280 = tpu.memref_squeeze %get3A_279 : memref<1x8x4x128xf32, #tpu.memory_space<vmem>> -> memref<8x4x128xf32, #tpu.memory_space<vmem>>
        %get3A_281 = arith.index_cast %scan3A_231 : i32 to index
        %get3A_282 = arith.index_cast %get3A_275 : i32 to index
        %get3A_283 = arith.constant 0 : index
        %get3A_284 = tpu.vector_load %get3A_280[%get3A_281, %get3A_282, %get3A_283] {strides = array<i32>} : memref<8x4x128xf32, #tpu.memory_space<vmem>>, vector<16xf32>,
        %get3A_285 = arith.constant 1 : i32
        %get3A_286 = arith.constant 0 : i32
        %get3A_287 = arith.constant 0 : i32
        %get3A_288 = arith.constant 0 : i32
        %get3A_289 = tpu.memref_slice %arg7[%select_n3A_181, %get3A_286, %get3A_287, %get3A_288] : memref<3x8x4x128xf32, #tpu.memory_space<vmem>> -> memref<1x8x4x128xf32, #tpu.memory_space<vmem>>
        %get3A_290 = tpu.memref_squeeze %get3A_289 : memref<1x8x4x128xf32, #tpu.memory_space<vmem>> -> memref<8x4x128xf32, #tpu.memory_space<vmem>>
        %get3A_291 = arith.index_cast %scan3A_231 : i32 to index
        %get3A_292 = arith.index_cast %get3A_285 : i32 to index
        %get3A_293 = arith.constant 0 : index
        %get3A_294 = tpu.vector_load %get3A_290[%get3A_291, %get3A_292, %get3A_293] {strides = array<i32>} : memref<8x4x128xf32, #tpu.memory_space<vmem>>, vector<16xf32>,
        %sub3A_295 = arith.subf %get3A_284, %get3A_294 : vector<16xf32>
        %abs3A_296 = math.absf %sub3A_295 : vector<16xf32>
        %min3A_297 = arith.constant 1.000000e+00 : f32
        %min3A_298 = vector.broadcast %min3A_297 : f32 to vector<16xf32>
        %min3A_299 = arith.minimumf %abs3A_296, %min3A_298 : vector<16xf32>
        %add3A_300 = arith.addf %abs3A_296, %abs3A_296 : vector<16xf32>
        %sub3A_301 = arith.subf %add3A_300, %min3A_299 : vector<16xf32>
        %mul3A_302 = arith.mulf %min3A_299, %sub3A_301 : vector<16xf32>
        %get3A_303 = arith.constant 2 : i32
        %get3A_304 = arith.constant 0 : i32
        %get3A_305 = arith.constant 0 : i32
        %get3A_306 = arith.constant 0 : i32
        %get3A_307 = tpu.memref_slice %arg6[%select_n3A_181, %get3A_304, %get3A_305, %get3A_306] : memref<3x8x4x128xf32, #tpu.memory_space<vmem>> -> memref<1x8x4x128xf32, #tpu.memory_space<vmem>>
        %get3A_308 = tpu.memref_squeeze %get3A_307 : memref<1x8x4x128xf32, #tpu.memory_space<vmem>> -> memref<8x4x128xf32, #tpu.memory_space<vmem>>
        %get3A_309 = arith.index_cast %scan3A_231 : i32 to index
        %get3A_310 = arith.index_cast %get3A_303 : i32 to index
        %get3A_311 = arith.constant 0 : index
        %get3A_312 = tpu.vector_load %get3A_308[%get3A_309, %get3A_310, %get3A_311] {strides = array<i32>} : memref<8x4x128xf32, #tpu.memory_space<vmem>>, vector<16xf32>,
        %get3A_313 = arith.constant 2 : i32
        %get3A_314 = arith.constant 0 : i32
        %get3A_315 = arith.constant 0 : i32
        %get3A_316 = arith.constant 0 : i32
        %get3A_317 = tpu.memref_slice %arg7[%select_n3A_181, %get3A_314, %get3A_315, %get3A_316] : memref<3x8x4x128xf32, #tpu.memory_space<vmem>> -> memref<1x8x4x128xf32, #tpu.memory_space<vmem>>
        %get3A_318 = tpu.memref_squeeze %get3A_317 : memref<1x8x4x128xf32, #tpu.memory_space<vmem>> -> memref<8x4x128xf32, #tpu.memory_space<vmem>>
        %get3A_319 = arith.index_cast %scan3A_231 : i32 to index
        %get3A_320 = arith.index_cast %get3A_313 : i32 to index
        %get3A_321 = arith.constant 0 : index
        %get3A_322 = tpu.vector_load %get3A_318[%get3A_319, %get3A_320, %get3A_321] {strides = array<i32>} : memref<8x4x128xf32, #tpu.memory_space<vmem>>, vector<16xf32>,
        %sub3A_323 = arith.subf %get3A_312, %get3A_322 : vector<16xf32>
        %abs3A_324 = math.absf %sub3A_323 : vector<16xf32>
        %min3A_325 = arith.constant 1.000000e+00 : f32
        %min3A_326 = vector.broadcast %min3A_325 : f32 to vector<16xf32>
        %min3A_327 = arith.minimumf %abs3A_324, %min3A_326 : vector<16xf32>
        %add3A_328 = arith.addf %abs3A_324, %abs3A_324 : vector<16xf32>
        %sub3A_329 = arith.subf %add3A_328, %min3A_327 : vector<16xf32>
        %mul3A_330 = arith.mulf %min3A_327, %sub3A_329 : vector<16xf32>
        %get3A_331 = arith.constant 3 : i32
        %get3A_332 = arith.constant 0 : i32
        %get3A_333 = arith.constant 0 : i32
        %get3A_334 = arith.constant 0 : i32
        %get3A_335 = tpu.memref_slice %arg6[%select_n3A_181, %get3A_332, %get3A_333, %get3A_334] : memref<3x8x4x128xf32, #tpu.memory_space<vmem>> -> memref<1x8x4x128xf32, #tpu.memory_space<vmem>>
        %get3A_336 = tpu.memref_squeeze %get3A_335 : memref<1x8x4x128xf32, #tpu.memory_space<vmem>> -> memref<8x4x128xf32, #tpu.memory_space<vmem>>
        %get3A_337 = arith.index_cast %scan3A_231 : i32 to index
        %get3A_338 = arith.index_cast %get3A_331 : i32 to index
        %get3A_339 = arith.constant 0 : index
        %get3A_340 = tpu.vector_load %get3A_336[%get3A_337, %get3A_338, %get3A_339] {strides = array<i32>} : memref<8x4x128xf32, #tpu.memory_space<vmem>>, vector<16xf32>,
        %get3A_341 = arith.constant 3 : i32
        %get3A_342 = arith.constant 0 : i32
        %get3A_343 = arith.constant 0 : i32
        %get3A_344 = arith.constant 0 : i32
        %get3A_345 = tpu.memref_slice %arg7[%select_n3A_181, %get3A_342, %get3A_343, %get3A_344] : memref<3x8x4x128xf32, #tpu.memory_space<vmem>> -> memref<1x8x4x128xf32, #tpu.memory_space<vmem>>
        %get3A_346 = tpu.memref_squeeze %get3A_345 : memref<1x8x4x128xf32, #tpu.memory_space<vmem>> -> memref<8x4x128xf32, #tpu.memory_space<vmem>>
        %get3A_347 = arith.index_cast %scan3A_231 : i32 to index
        %get3A_348 = arith.index_cast %get3A_341 : i32 to index
        %get3A_349 = arith.constant 0 : index
        %get3A_350 = tpu.vector_load %get3A_346[%get3A_347, %get3A_348, %get3A_349] {strides = array<i32>} : memref<8x4x128xf32, #tpu.memory_space<vmem>>, vector<16xf32>,
        %sub3A_351 = arith.subf %get3A_340, %get3A_350 : vector<16xf32>
        %abs3A_352 = math.absf %sub3A_351 : vector<16xf32>
        %min3A_353 = arith.constant 1.000000e+00 : f32
        %min3A_354 = vector.broadcast %min3A_353 : f32 to vector<16xf32>
        %min3A_355 = arith.minimumf %abs3A_352, %min3A_354 : vector<16xf32>
        %add3A_356 = arith.addf %abs3A_352, %abs3A_352 : vector<16xf32>
        %sub3A_357 = arith.subf %add3A_356, %min3A_355 : vector<16xf32>
        %mul3A_358 = arith.mulf %min3A_355, %sub3A_357 : vector<16xf32>
        %add3A_359 = arith.addf %mul3A_274, %mul3A_302 : vector<16xf32>
        %add3A_360 = arith.addf %mul3A_330, %mul3A_358 : vector<16xf32>
        %add3A_361 = arith.addf %add3A_359, %add3A_360 : vector<16xf32>
        %mul3A_362 = arith.mulf %convert_element_type3A_247, %add3A_361 : vector<16xf32>
        %add3A_363 = arith.addf %scan3A_232, %mul3A_362 : vector<16xf32>
        %get3A_364 = arith.constant 0 : i32
        %get3A_365 = arith.constant 0 : i32
        %get3A_366 = arith.constant 0 : i32
        %get3A_367 = arith.constant 0 : i32
        %get3A_368 = tpu.memref_slice %arg8[%select_n3A_181, %get3A_365, %get3A_366, %get3A_367] : memref<3x8x1x128xi32, #tpu.memory_space<vmem>> -> memref<1x8x1x128xi32, #tpu.memory_space<vmem>>
        %get3A_369 = tpu.memref_squeeze %get3A_368 : memref<1x8x1x128xi32, #tpu.memory_space<vmem>> -> memref<8x1x128xi32, #tpu.memory_space<vmem>>
        %get3A_370 = arith.index_cast %scan3A_231 : i32 to index
        %get3A_371 = arith.index_cast %get3A_364 : i32 to index
        %get3A_372 = arith.constant 16 : index
        %get3A_373 = tpu.vector_load %get3A_369[%get3A_370, %get3A_371, %get3A_372] {strides = array<i32>} : memref<8x1x128xi32, #tpu.memory_space<vmem>>, vector<16xi32>,
        %convert_element_type3A_374 = arith.sitofp %get3A_373 : vector<16xi32> to vector<16xf32>
        %add3A_375 = arith.addf %scan3A_237, %convert_element_type3A_374 : vector<16xf32>
        %get3A_376 = arith.constant 0 : i32
        %get3A_377 = arith.constant 0 : i32
        %get3A_378 = arith.constant 0 : i32
        %get3A_379 = arith.constant 0 : i32
        %get3A_380 = tpu.memref_slice %arg6[%select_n3A_181, %get3A_377, %get3A_378, %get3A_379] : memref<3x8x4x128xf32, #tpu.memory_space<vmem>> -> memref<1x8x4x128xf32, #tpu.memory_space<vmem>>
        %get3A_381 = tpu.memref_squeeze %get3A_380 : memref<1x8x4x128xf32, #tpu.memory_space<vmem>> -> memref<8x4x128xf32, #tpu.memory_space<vmem>>
        %get3A_382 = arith.index_cast %scan3A_231 : i32 to index
        %get3A_383 = arith.index_cast %get3A_376 : i32 to index
        %get3A_384 = arith.constant 16 : index
        %get3A_385 = tpu.vector_load %get3A_381[%get3A_382, %get3A_383, %get3A_384] {strides = array<i32>} : memref<8x4x128xf32, #tpu.memory_space<vmem>>, vector<16xf32>,
        %get3A_386 = arith.constant 0 : i32
        %get3A_387 = arith.constant 0 : i32
        %get3A_388 = arith.constant 0 : i32
        %get3A_389 = arith.constant 0 : i32
        %get3A_390 = tpu.memref_slice %arg7[%select_n3A_181, %get3A_387, %get3A_388, %get3A_389] : memref<3x8x4x128xf32, #tpu.memory_space<vmem>> -> memref<1x8x4x128xf32, #tpu.memory_space<vmem>>
        %get3A_391 = tpu.memref_squeeze %get3A_390 : memref<1x8x4x128xf32, #tpu.memory_space<vmem>> -> memref<8x4x128xf32, #tpu.memory_space<vmem>>
        %get3A_392 = arith.index_cast %scan3A_231 : i32 to index
        %get3A_393 = arith.index_cast %get3A_386 : i32 to index
        %get3A_394 = arith.constant 16 : index
        %get3A_395 = tpu.vector_load %get3A_391[%get3A_392, %get3A_393, %get3A_394] {strides = array<i32>} : memref<8x4x128xf32, #tpu.memory_space<vmem>>, vector<16xf32>,
        %sub3A_396 = arith.subf %get3A_385, %get3A_395 : vector<16xf32>
        %abs3A_397 = math.absf %sub3A_396 : vector<16xf32>
        %min3A_398 = arith.constant 1.000000e+00 : f32
        %min3A_399 = vector.broadcast %min3A_398 : f32 to vector<16xf32>
        %min3A_400 = arith.minimumf %abs3A_397, %min3A_399 : vector<16xf32>
        %add3A_401 = arith.addf %abs3A_397, %abs3A_397 : vector<16xf32>
        %sub3A_402 = arith.subf %add3A_401, %min3A_400 : vector<16xf32>
        %mul3A_403 = arith.mulf %min3A_400, %sub3A_402 : vector<16xf32>
        %get3A_404 = arith.constant 1 : i32
        %get3A_405 = arith.constant 0 : i32
        %get3A_406 = arith.constant 0 : i32
        %get3A_407 = arith.constant 0 : i32
        %get3A_408 = tpu.memref_slice %arg6[%select_n3A_181, %get3A_405, %get3A_406, %get3A_407] : memref<3x8x4x128xf32, #tpu.memory_space<vmem>> -> memref<1x8x4x128xf32, #tpu.memory_space<vmem>>
        %get3A_409 = tpu.memref_squeeze %get3A_408 : memref<1x8x4x128xf32, #tpu.memory_space<vmem>> -> memref<8x4x128xf32, #tpu.memory_space<vmem>>
        %get3A_410 = arith.index_cast %scan3A_231 : i32 to index
        %get3A_411 = arith.index_cast %get3A_404 : i32 to index
        %get3A_412 = arith.constant 16 : index
        %get3A_413 = tpu.vector_load %get3A_409[%get3A_410, %get3A_411, %get3A_412] {strides = array<i32>} : memref<8x4x128xf32, #tpu.memory_space<vmem>>, vector<16xf32>,
        %get3A_414 = arith.constant 1 : i32
        %get3A_415 = arith.constant 0 : i32
        %get3A_416 = arith.constant 0 : i32
        %get3A_417 = arith.constant 0 : i32
        %get3A_418 = tpu.memref_slice %arg7[%select_n3A_181, %get3A_415, %get3A_416, %get3A_417] : memref<3x8x4x128xf32, #tpu.memory_space<vmem>> -> memref<1x8x4x128xf32, #tpu.memory_space<vmem>>
        %get3A_419 = tpu.memref_squeeze %get3A_418 : memref<1x8x4x128xf32, #tpu.memory_space<vmem>> -> memref<8x4x128xf32, #tpu.memory_space<vmem>>
        %get3A_420 = arith.index_cast %scan3A_231 : i32 to index
        %get3A_421 = arith.index_cast %get3A_414 : i32 to index
        %get3A_422 = arith.constant 16 : index
        %get3A_423 = tpu.vector_load %get3A_419[%get3A_420, %get3A_421, %get3A_422] {strides = array<i32>} : memref<8x4x128xf32, #tpu.memory_space<vmem>>, vector<16xf32>,
        %sub3A_424 = arith.subf %get3A_413, %get3A_423 : vector<16xf32>
        %abs3A_425 = math.absf %sub3A_424 : vector<16xf32>
        %min3A_426 = arith.constant 1.000000e+00 : f32
        %min3A_427 = vector.broadcast %min3A_426 : f32 to vector<16xf32>
        %min3A_428 = arith.minimumf %abs3A_425, %min3A_427 : vector<16xf32>
        %add3A_429 = arith.addf %abs3A_425, %abs3A_425 : vector<16xf32>
        %sub3A_430 = arith.subf %add3A_429, %min3A_428 : vector<16xf32>
        %mul3A_431 = arith.mulf %min3A_428, %sub3A_430 : vector<16xf32>
        %get3A_432 = arith.constant 2 : i32
        %get3A_433 = arith.constant 0 : i32
        %get3A_434 = arith.constant 0 : i32
        %get3A_435 = arith.constant 0 : i32
        %get3A_436 = tpu.memref_slice %arg6[%select_n3A_181, %get3A_433, %get3A_434, %get3A_435] : memref<3x8x4x128xf32, #tpu.memory_space<vmem>> -> memref<1x8x4x128xf32, #tpu.memory_space<vmem>>
        %get3A_437 = tpu.memref_squeeze %get3A_436 : memref<1x8x4x128xf32, #tpu.memory_space<vmem>> -> memref<8x4x128xf32, #tpu.memory_space<vmem>>
        %get3A_438 = arith.index_cast %scan3A_231 : i32 to index
        %get3A_439 = arith.index_cast %get3A_432 : i32 to index
        %get3A_440 = arith.constant 16 : index
        %get3A_441 = tpu.vector_load %get3A_437[%get3A_438, %get3A_439, %get3A_440] {strides = array<i32>} : memref<8x4x128xf32, #tpu.memory_space<vmem>>, vector<16xf32>,
        %get3A_442 = arith.constant 2 : i32
        %get3A_443 = arith.constant 0 : i32
        %get3A_444 = arith.constant 0 : i32
        %get3A_445 = arith.constant 0 : i32
        %get3A_446 = tpu.memref_slice %arg7[%select_n3A_181, %get3A_443, %get3A_444, %get3A_445] : memref<3x8x4x128xf32, #tpu.memory_space<vmem>> -> memref<1x8x4x128xf32, #tpu.memory_space<vmem>>
        %get3A_447 = tpu.memref_squeeze %get3A_446 : memref<1x8x4x128xf32, #tpu.memory_space<vmem>> -> memref<8x4x128xf32, #tpu.memory_space<vmem>>
        %get3A_448 = arith.index_cast %scan3A_231 : i32 to index
        %get3A_449 = arith.index_cast %get3A_442 : i32 to index
        %get3A_450 = arith.constant 16 : index
        %get3A_451 = tpu.vector_load %get3A_447[%get3A_448, %get3A_449, %get3A_450] {strides = array<i32>} : memref<8x4x128xf32, #tpu.memory_space<vmem>>, vector<16xf32>,
        %sub3A_452 = arith.subf %get3A_441, %get3A_451 : vector<16xf32>
        %abs3A_453 = math.absf %sub3A_452 : vector<16xf32>
        %min3A_454 = arith.constant 1.000000e+00 : f32
        %min3A_455 = vector.broadcast %min3A_454 : f32 to vector<16xf32>
        %min3A_456 = arith.minimumf %abs3A_453, %min3A_455 : vector<16xf32>
        %add3A_457 = arith.addf %abs3A_453, %abs3A_453 : vector<16xf32>
        %sub3A_458 = arith.subf %add3A_457, %min3A_456 : vector<16xf32>
        %mul3A_459 = arith.mulf %min3A_456, %sub3A_458 : vector<16xf32>
        %get3A_460 = arith.constant 3 : i32
        %get3A_461 = arith.constant 0 : i32
        %get3A_462 = arith.constant 0 : i32
        %get3A_463 = arith.constant 0 : i32
        %get3A_464 = tpu.memref_slice %arg6[%select_n3A_181, %get3A_461, %get3A_462, %get3A_463] : memref<3x8x4x128xf32, #tpu.memory_space<vmem>> -> memref<1x8x4x128xf32, #tpu.memory_space<vmem>>
        %get3A_465 = tpu.memref_squeeze %get3A_464 : memref<1x8x4x128xf32, #tpu.memory_space<vmem>> -> memref<8x4x128xf32, #tpu.memory_space<vmem>>
        %get3A_466 = arith.index_cast %scan3A_231 : i32 to index
        %get3A_467 = arith.index_cast %get3A_460 : i32 to index
        %get3A_468 = arith.constant 16 : index
        %get3A_469 = tpu.vector_load %get3A_465[%get3A_466, %get3A_467, %get3A_468] {strides = array<i32>} : memref<8x4x128xf32, #tpu.memory_space<vmem>>, vector<16xf32>,
        %get3A_470 = arith.constant 3 : i32
        %get3A_471 = arith.constant 0 : i32
        %get3A_472 = arith.constant 0 : i32
        %get3A_473 = arith.constant 0 : i32
        %get3A_474 = tpu.memref_slice %arg7[%select_n3A_181, %get3A_471, %get3A_472, %get3A_473] : memref<3x8x4x128xf32, #tpu.memory_space<vmem>> -> memref<1x8x4x128xf32, #tpu.memory_space<vmem>>
        %get3A_475 = tpu.memref_squeeze %get3A_474 : memref<1x8x4x128xf32, #tpu.memory_space<vmem>> -> memref<8x4x128xf32, #tpu.memory_space<vmem>>
        %get3A_476 = arith.index_cast %scan3A_231 : i32 to index
        %get3A_477 = arith.index_cast %get3A_470 : i32 to index
        %get3A_478 = arith.constant 16 : index
        %get3A_479 = tpu.vector_load %get3A_475[%get3A_476, %get3A_477, %get3A_478] {strides = array<i32>} : memref<8x4x128xf32, #tpu.memory_space<vmem>>, vector<16xf32>,
        %sub3A_480 = arith.subf %get3A_469, %get3A_479 : vector<16xf32>
        %abs3A_481 = math.absf %sub3A_480 : vector<16xf32>
        %min3A_482 = arith.constant 1.000000e+00 : f32
        %min3A_483 = vector.broadcast %min3A_482 : f32 to vector<16xf32>
        %min3A_484 = arith.minimumf %abs3A_481, %min3A_483 : vector<16xf32>
        %add3A_485 = arith.addf %abs3A_481, %abs3A_481 : vector<16xf32>
        %sub3A_486 = arith.subf %add3A_485, %min3A_484 : vector<16xf32>
        %mul3A_487 = arith.mulf %min3A_484, %sub3A_486 : vector<16xf32>
        %add3A_488 = arith.addf %mul3A_403, %mul3A_431 : vector<16xf32>
        %add3A_489 = arith.addf %mul3A_459, %mul3A_487 : vector<16xf32>
        %add3A_490 = arith.addf %add3A_488, %add3A_489 : vector<16xf32>
        %mul3A_491 = arith.mulf %convert_element_type3A_374, %add3A_490 : vector<16xf32>
        %add3A_492 = arith.addf %scan3A_233, %mul3A_491 : vector<16xf32>
        %get3A_493 = arith.constant 0 : i32
        %get3A_494 = arith.constant 0 : i32
        %get3A_495 = arith.constant 0 : i32
        %get3A_496 = arith.constant 0 : i32
        %get3A_497 = tpu.memref_slice %arg8[%select_n3A_181, %get3A_494, %get3A_495, %get3A_496] : memref<3x8x1x128xi32, #tpu.memory_space<vmem>> -> memref<1x8x1x128xi32, #tpu.memory_space<vmem>>
        %get3A_498 = tpu.memref_squeeze %get3A_497 : memref<1x8x1x128xi32, #tpu.memory_space<vmem>> -> memref<8x1x128xi32, #tpu.memory_space<vmem>>
        %get3A_499 = arith.index_cast %scan3A_231 : i32 to index
        %get3A_500 = arith.index_cast %get3A_493 : i32 to index
        %get3A_501 = arith.constant 32 : index
        %get3A_502 = tpu.vector_load %get3A_498[%get3A_499, %get3A_500, %get3A_501] {strides = array<i32>} : memref<8x1x128xi32, #tpu.memory_space<vmem>>, vector<16xi32>,
        %convert_element_type3A_503 = arith.sitofp %get3A_502 : vector<16xi32> to vector<16xf32>
        %add3A_504 = arith.addf %add3A_248, %convert_element_type3A_503 : vector<16xf32>
        %get3A_505 = arith.constant 0 : i32
        %get3A_506 = arith.constant 0 : i32
        %get3A_507 = arith.constant 0 : i32
        %get3A_508 = arith.constant 0 : i32
        %get3A_509 = tpu.memref_slice %arg6[%select_n3A_181, %get3A_506, %get3A_507, %get3A_508] : memref<3x8x4x128xf32, #tpu.memory_space<vmem>> -> memref<1x8x4x128xf32, #tpu.memory_space<vmem>>
        %get3A_510 = tpu.memref_squeeze %get3A_509 : memref<1x8x4x128xf32, #tpu.memory_space<vmem>> -> memref<8x4x128xf32, #tpu.memory_space<vmem>>
        %get3A_511 = arith.index_cast %scan3A_231 : i32 to index
        %get3A_512 = arith.index_cast %get3A_505 : i32 to index
        %get3A_513 = arith.constant 32 : index
        %get3A_514 = tpu.vector_load %get3A_510[%get3A_511, %get3A_512, %get3A_513] {strides = array<i32>} : memref<8x4x128xf32, #tpu.memory_space<vmem>>, vector<16xf32>,
        %get3A_515 = arith.constant 0 : i32
        %get3A_516 = arith.constant 0 : i32
        %get3A_517 = arith.constant 0 : i32
        %get3A_518 = arith.constant 0 : i32
        %get3A_519 = tpu.memref_slice %arg7[%select_n3A_181, %get3A_516, %get3A_517, %get3A_518] : memref<3x8x4x128xf32, #tpu.memory_space<vmem>> -> memref<1x8x4x128xf32, #tpu.memory_space<vmem>>
        %get3A_520 = tpu.memref_squeeze %get3A_519 : memref<1x8x4x128xf32, #tpu.memory_space<vmem>> -> memref<8x4x128xf32, #tpu.memory_space<vmem>>
        %get3A_521 = arith.index_cast %scan3A_231 : i32 to index
        %get3A_522 = arith.index_cast %get3A_515 : i32 to index
        %get3A_523 = arith.constant 32 : index
        %get3A_524 = tpu.vector_load %get3A_520[%get3A_521, %get3A_522, %get3A_523] {strides = array<i32>} : memref<8x4x128xf32, #tpu.memory_space<vmem>>, vector<16xf32>,
        %sub3A_525 = arith.subf %get3A_514, %get3A_524 : vector<16xf32>
        %abs3A_526 = math.absf %sub3A_525 : vector<16xf32>
        %min3A_527 = arith.constant 1.000000e+00 : f32
        %min3A_528 = vector.broadcast %min3A_527 : f32 to vector<16xf32>
        %min3A_529 = arith.minimumf %abs3A_526, %min3A_528 : vector<16xf32>
        %add3A_530 = arith.addf %abs3A_526, %abs3A_526 : vector<16xf32>
        %sub3A_531 = arith.subf %add3A_530, %min3A_529 : vector<16xf32>
        %mul3A_532 = arith.mulf %min3A_529, %sub3A_531 : vector<16xf32>
        %get3A_533 = arith.constant 1 : i32
        %get3A_534 = arith.constant 0 : i32
        %get3A_535 = arith.constant 0 : i32
        %get3A_536 = arith.constant 0 : i32
        %get3A_537 = tpu.memref_slice %arg6[%select_n3A_181, %get3A_534, %get3A_535, %get3A_536] : memref<3x8x4x128xf32, #tpu.memory_space<vmem>> -> memref<1x8x4x128xf32, #tpu.memory_space<vmem>>
        %get3A_538 = tpu.memref_squeeze %get3A_537 : memref<1x8x4x128xf32, #tpu.memory_space<vmem>> -> memref<8x4x128xf32, #tpu.memory_space<vmem>>
        %get3A_539 = arith.index_cast %scan3A_231 : i32 to index
        %get3A_540 = arith.index_cast %get3A_533 : i32 to index
        %get3A_541 = arith.constant 32 : index
        %get3A_542 = tpu.vector_load %get3A_538[%get3A_539, %get3A_540, %get3A_541] {strides = array<i32>} : memref<8x4x128xf32, #tpu.memory_space<vmem>>, vector<16xf32>,
        %get3A_543 = arith.constant 1 : i32
        %get3A_544 = arith.constant 0 : i32
        %get3A_545 = arith.constant 0 : i32
        %get3A_546 = arith.constant 0 : i32
        %get3A_547 = tpu.memref_slice %arg7[%select_n3A_181, %get3A_544, %get3A_545, %get3A_546] : memref<3x8x4x128xf32, #tpu.memory_space<vmem>> -> memref<1x8x4x128xf32, #tpu.memory_space<vmem>>
        %get3A_548 = tpu.memref_squeeze %get3A_547 : memref<1x8x4x128xf32, #tpu.memory_space<vmem>> -> memref<8x4x128xf32, #tpu.memory_space<vmem>>
        %get3A_549 = arith.index_cast %scan3A_231 : i32 to index
        %get3A_550 = arith.index_cast %get3A_543 : i32 to index
        %get3A_551 = arith.constant 32 : index
        %get3A_552 = tpu.vector_load %get3A_548[%get3A_549, %get3A_550, %get3A_551] {strides = array<i32>} : memref<8x4x128xf32, #tpu.memory_space<vmem>>, vector<16xf32>,
        %sub3A_553 = arith.subf %get3A_542, %get3A_552 : vector<16xf32>
        %abs3A_554 = math.absf %sub3A_553 : vector<16xf32>
        %min3A_555 = arith.constant 1.000000e+00 : f32
        %min3A_556 = vector.broadcast %min3A_555 : f32 to vector<16xf32>
        %min3A_557 = arith.minimumf %abs3A_554, %min3A_556 : vector<16xf32>
        %add3A_558 = arith.addf %abs3A_554, %abs3A_554 : vector<16xf32>
        %sub3A_559 = arith.subf %add3A_558, %min3A_557 : vector<16xf32>
        %mul3A_560 = arith.mulf %min3A_557, %sub3A_559 : vector<16xf32>
        %get3A_561 = arith.constant 2 : i32
        %get3A_562 = arith.constant 0 : i32
        %get3A_563 = arith.constant 0 : i32
        %get3A_564 = arith.constant 0 : i32
        %get3A_565 = tpu.memref_slice %arg6[%select_n3A_181, %get3A_562, %get3A_563, %get3A_564] : memref<3x8x4x128xf32, #tpu.memory_space<vmem>> -> memref<1x8x4x128xf32, #tpu.memory_space<vmem>>
        %get3A_566 = tpu.memref_squeeze %get3A_565 : memref<1x8x4x128xf32, #tpu.memory_space<vmem>> -> memref<8x4x128xf32, #tpu.memory_space<vmem>>
        %get3A_567 = arith.index_cast %scan3A_231 : i32 to index
        %get3A_568 = arith.index_cast %get3A_561 : i32 to index
        %get3A_569 = arith.constant 32 : index
        %get3A_570 = tpu.vector_load %get3A_566[%get3A_567, %get3A_568, %get3A_569] {strides = array<i32>} : memref<8x4x128xf32, #tpu.memory_space<vmem>>, vector<16xf32>,
        %get3A_571 = arith.constant 2 : i32
        %get3A_572 = arith.constant 0 : i32
        %get3A_573 = arith.constant 0 : i32
        %get3A_574 = arith.constant 0 : i32
        %get3A_575 = tpu.memref_slice %arg7[%select_n3A_181, %get3A_572, %get3A_573, %get3A_574] : memref<3x8x4x128xf32, #tpu.memory_space<vmem>> -> memref<1x8x4x128xf32, #tpu.memory_space<vmem>>
        %get3A_576 = tpu.memref_squeeze %get3A_575 : memref<1x8x4x128xf32, #tpu.memory_space<vmem>> -> memref<8x4x128xf32, #tpu.memory_space<vmem>>
        %get3A_577 = arith.index_cast %scan3A_231 : i32 to index
        %get3A_578 = arith.index_cast %get3A_571 : i32 to index
        %get3A_579 = arith.constant 32 : index
        %get3A_580 = tpu.vector_load %get3A_576[%get3A_577, %get3A_578, %get3A_579] {strides = array<i32>} : memref<8x4x128xf32, #tpu.memory_space<vmem>>, vector<16xf32>,
        %sub3A_581 = arith.subf %get3A_570, %get3A_580 : vector<16xf32>
        %abs3A_582 = math.absf %sub3A_581 : vector<16xf32>
        %min3A_583 = arith.constant 1.000000e+00 : f32
        %min3A_584 = vector.broadcast %min3A_583 : f32 to vector<16xf32>
        %min3A_585 = arith.minimumf %abs3A_582, %min3A_584 : vector<16xf32>
        %add3A_586 = arith.addf %abs3A_582, %abs3A_582 : vector<16xf32>
        %sub3A_587 = arith.subf %add3A_586, %min3A_585 : vector<16xf32>
        %mul3A_588 = arith.mulf %min3A_585, %sub3A_587 : vector<16xf32>
        %get3A_589 = arith.constant 3 : i32
        %get3A_590 = arith.constant 0 : i32
        %get3A_591 = arith.constant 0 : i32
        %get3A_592 = arith.constant 0 : i32
        %get3A_593 = tpu.memref_slice %arg6[%select_n3A_181, %get3A_590, %get3A_591, %get3A_592] : memref<3x8x4x128xf32, #tpu.memory_space<vmem>> -> memref<1x8x4x128xf32, #tpu.memory_space<vmem>>
        %get3A_594 = tpu.memref_squeeze %get3A_593 : memref<1x8x4x128xf32, #tpu.memory_space<vmem>> -> memref<8x4x128xf32, #tpu.memory_space<vmem>>
        %get3A_595 = arith.index_cast %scan3A_231 : i32 to index
        %get3A_596 = arith.index_cast %get3A_589 : i32 to index
        %get3A_597 = arith.constant 32 : index
        %get3A_598 = tpu.vector_load %get3A_594[%get3A_595, %get3A_596, %get3A_597] {strides = array<i32>} : memref<8x4x128xf32, #tpu.memory_space<vmem>>, vector<16xf32>,
        %get3A_599 = arith.constant 3 : i32
        %get3A_600 = arith.constant 0 : i32
        %get3A_601 = arith.constant 0 : i32
        %get3A_602 = arith.constant 0 : i32
        %get3A_603 = tpu.memref_slice %arg7[%select_n3A_181, %get3A_600, %get3A_601, %get3A_602] : memref<3x8x4x128xf32, #tpu.memory_space<vmem>> -> memref<1x8x4x128xf32, #tpu.memory_space<vmem>>
        %get3A_604 = tpu.memref_squeeze %get3A_603 : memref<1x8x4x128xf32, #tpu.memory_space<vmem>> -> memref<8x4x128xf32, #tpu.memory_space<vmem>>
        %get3A_605 = arith.index_cast %scan3A_231 : i32 to index
        %get3A_606 = arith.index_cast %get3A_599 : i32 to index
        %get3A_607 = arith.constant 32 : index
        %get3A_608 = tpu.vector_load %get3A_604[%get3A_605, %get3A_606, %get3A_607] {strides = array<i32>} : memref<8x4x128xf32, #tpu.memory_space<vmem>>, vector<16xf32>,
        %sub3A_609 = arith.subf %get3A_598, %get3A_608 : vector<16xf32>
        %abs3A_610 = math.absf %sub3A_609 : vector<16xf32>
        %min3A_611 = arith.constant 1.000000e+00 : f32
        %min3A_612 = vector.broadcast %min3A_611 : f32 to vector<16xf32>
        %min3A_613 = arith.minimumf %abs3A_610, %min3A_612 : vector<16xf32>
        %add3A_614 = arith.addf %abs3A_610, %abs3A_610 : vector<16xf32>
        %sub3A_615 = arith.subf %add3A_614, %min3A_613 : vector<16xf32>
        %mul3A_616 = arith.mulf %min3A_613, %sub3A_615 : vector<16xf32>
        %add3A_617 = arith.addf %mul3A_532, %mul3A_560 : vector<16xf32>
        %add3A_618 = arith.addf %mul3A_588, %mul3A_616 : vector<16xf32>
        %add3A_619 = arith.addf %add3A_617, %add3A_618 : vector<16xf32>
        %mul3A_620 = arith.mulf %convert_element_type3A_503, %add3A_619 : vector<16xf32>
        %add3A_621 = arith.addf %scan3A_234, %mul3A_620 : vector<16xf32>
        %get3A_622 = arith.constant 0 : i32
        %get3A_623 = arith.constant 0 : i32
        %get3A_624 = arith.constant 0 : i32
        %get3A_625 = arith.constant 0 : i32
        %get3A_626 = tpu.memref_slice %arg8[%select_n3A_181, %get3A_623, %get3A_624, %get3A_625] : memref<3x8x1x128xi32, #tpu.memory_space<vmem>> -> memref<1x8x1x128xi32, #tpu.memory_space<vmem>>
        %get3A_627 = tpu.memref_squeeze %get3A_626 : memref<1x8x1x128xi32, #tpu.memory_space<vmem>> -> memref<8x1x128xi32, #tpu.memory_space<vmem>>
        %get3A_628 = arith.index_cast %scan3A_231 : i32 to index
        %get3A_629 = arith.index_cast %get3A_622 : i32 to index
        %get3A_630 = arith.constant 48 : index
        %get3A_631 = tpu.vector_load %get3A_627[%get3A_628, %get3A_629, %get3A_630] {strides = array<i32>} : memref<8x1x128xi32, #tpu.memory_space<vmem>>, vector<16xi32>,
        %convert_element_type3A_632 = arith.sitofp %get3A_631 : vector<16xi32> to vector<16xf32>
        %add3A_633 = arith.addf %add3A_375, %convert_element_type3A_632 : vector<16xf32>
        %get3A_634 = arith.constant 0 : i32
        %get3A_635 = arith.constant 0 : i32
        %get3A_636 = arith.constant 0 : i32
        %get3A_637 = arith.constant 0 : i32
        %get3A_638 = tpu.memref_slice %arg6[%select_n3A_181, %get3A_635, %get3A_636, %get3A_637] : memref<3x8x4x128xf32, #tpu.memory_space<vmem>> -> memref<1x8x4x128xf32, #tpu.memory_space<vmem>>
        %get3A_639 = tpu.memref_squeeze %get3A_638 : memref<1x8x4x128xf32, #tpu.memory_space<vmem>> -> memref<8x4x128xf32, #tpu.memory_space<vmem>>
        %get3A_640 = arith.index_cast %scan3A_231 : i32 to index
        %get3A_641 = arith.index_cast %get3A_634 : i32 to index
        %get3A_642 = arith.constant 48 : index
        %get3A_643 = tpu.vector_load %get3A_639[%get3A_640, %get3A_641, %get3A_642] {strides = array<i32>} : memref<8x4x128xf32, #tpu.memory_space<vmem>>, vector<16xf32>,
        %get3A_644 = arith.constant 0 : i32
        %get3A_645 = arith.constant 0 : i32
        %get3A_646 = arith.constant 0 : i32
        %get3A_647 = arith.constant 0 : i32
        %get3A_648 = tpu.memref_slice %arg7[%select_n3A_181, %get3A_645, %get3A_646, %get3A_647] : memref<3x8x4x128xf32, #tpu.memory_space<vmem>> -> memref<1x8x4x128xf32, #tpu.memory_space<vmem>>
        %get3A_649 = tpu.memref_squeeze %get3A_648 : memref<1x8x4x128xf32, #tpu.memory_space<vmem>> -> memref<8x4x128xf32, #tpu.memory_space<vmem>>
        %get3A_650 = arith.index_cast %scan3A_231 : i32 to index
        %get3A_651 = arith.index_cast %get3A_644 : i32 to index
        %get3A_652 = arith.constant 48 : index
        %get3A_653 = tpu.vector_load %get3A_649[%get3A_650, %get3A_651, %get3A_652] {strides = array<i32>} : memref<8x4x128xf32, #tpu.memory_space<vmem>>, vector<16xf32>,
        %sub3A_654 = arith.subf %get3A_643, %get3A_653 : vector<16xf32>
        %abs3A_655 = math.absf %sub3A_654 : vector<16xf32>
        %min3A_656 = arith.constant 1.000000e+00 : f32
        %min3A_657 = vector.broadcast %min3A_656 : f32 to vector<16xf32>
        %min3A_658 = arith.minimumf %abs3A_655, %min3A_657 : vector<16xf32>
        %add3A_659 = arith.addf %abs3A_655, %abs3A_655 : vector<16xf32>
        %sub3A_660 = arith.subf %add3A_659, %min3A_658 : vector<16xf32>
        %mul3A_661 = arith.mulf %min3A_658, %sub3A_660 : vector<16xf32>
        %get3A_662 = arith.constant 1 : i32
        %get3A_663 = arith.constant 0 : i32
        %get3A_664 = arith.constant 0 : i32
        %get3A_665 = arith.constant 0 : i32
        %get3A_666 = tpu.memref_slice %arg6[%select_n3A_181, %get3A_663, %get3A_664, %get3A_665] : memref<3x8x4x128xf32, #tpu.memory_space<vmem>> -> memref<1x8x4x128xf32, #tpu.memory_space<vmem>>
        %get3A_667 = tpu.memref_squeeze %get3A_666 : memref<1x8x4x128xf32, #tpu.memory_space<vmem>> -> memref<8x4x128xf32, #tpu.memory_space<vmem>>
        %get3A_668 = arith.index_cast %scan3A_231 : i32 to index
        %get3A_669 = arith.index_cast %get3A_662 : i32 to index
        %get3A_670 = arith.constant 48 : index
        %get3A_671 = tpu.vector_load %get3A_667[%get3A_668, %get3A_669, %get3A_670] {strides = array<i32>} : memref<8x4x128xf32, #tpu.memory_space<vmem>>, vector<16xf32>,
        %get3A_672 = arith.constant 1 : i32
        %get3A_673 = arith.constant 0 : i32
        %get3A_674 = arith.constant 0 : i32
        %get3A_675 = arith.constant 0 : i32
        %get3A_676 = tpu.memref_slice %arg7[%select_n3A_181, %get3A_673, %get3A_674, %get3A_675] : memref<3x8x4x128xf32, #tpu.memory_space<vmem>> -> memref<1x8x4x128xf32, #tpu.memory_space<vmem>>
        %get3A_677 = tpu.memref_squeeze %get3A_676 : memref<1x8x4x128xf32, #tpu.memory_space<vmem>> -> memref<8x4x128xf32, #tpu.memory_space<vmem>>
        %get3A_678 = arith.index_cast %scan3A_231 : i32 to index
        %get3A_679 = arith.index_cast %get3A_672 : i32 to index
        %get3A_680 = arith.constant 48 : index
        %get3A_681 = tpu.vector_load %get3A_677[%get3A_678, %get3A_679, %get3A_680] {strides = array<i32>} : memref<8x4x128xf32, #tpu.memory_space<vmem>>, vector<16xf32>,
        %sub3A_682 = arith.subf %get3A_671, %get3A_681 : vector<16xf32>
        %abs3A_683 = math.absf %sub3A_682 : vector<16xf32>
        %min3A_684 = arith.constant 1.000000e+00 : f32
        %min3A_685 = vector.broadcast %min3A_684 : f32 to vector<16xf32>
        %min3A_686 = arith.minimumf %abs3A_683, %min3A_685 : vector<16xf32>
        %add3A_687 = arith.addf %abs3A_683, %abs3A_683 : vector<16xf32>
        %sub3A_688 = arith.subf %add3A_687, %min3A_686 : vector<16xf32>
        %mul3A_689 = arith.mulf %min3A_686, %sub3A_688 : vector<16xf32>
        %get3A_690 = arith.constant 2 : i32
        %get3A_691 = arith.constant 0 : i32
        %get3A_692 = arith.constant 0 : i32
        %get3A_693 = arith.constant 0 : i32
        %get3A_694 = tpu.memref_slice %arg6[%select_n3A_181, %get3A_691, %get3A_692, %get3A_693] : memref<3x8x4x128xf32, #tpu.memory_space<vmem>> -> memref<1x8x4x128xf32, #tpu.memory_space<vmem>>
        %get3A_695 = tpu.memref_squeeze %get3A_694 : memref<1x8x4x128xf32, #tpu.memory_space<vmem>> -> memref<8x4x128xf32, #tpu.memory_space<vmem>>
        %get3A_696 = arith.index_cast %scan3A_231 : i32 to index
        %get3A_697 = arith.index_cast %get3A_690 : i32 to index
        %get3A_698 = arith.constant 48 : index
        %get3A_699 = tpu.vector_load %get3A_695[%get3A_696, %get3A_697, %get3A_698] {strides = array<i32>} : memref<8x4x128xf32, #tpu.memory_space<vmem>>, vector<16xf32>,
        %get3A_700 = arith.constant 2 : i32
        %get3A_701 = arith.constant 0 : i32
        %get3A_702 = arith.constant 0 : i32
        %get3A_703 = arith.constant 0 : i32
        %get3A_704 = tpu.memref_slice %arg7[%select_n3A_181, %get3A_701, %get3A_702, %get3A_703] : memref<3x8x4x128xf32, #tpu.memory_space<vmem>> -> memref<1x8x4x128xf32, #tpu.memory_space<vmem>>
        %get3A_705 = tpu.memref_squeeze %get3A_704 : memref<1x8x4x128xf32, #tpu.memory_space<vmem>> -> memref<8x4x128xf32, #tpu.memory_space<vmem>>
        %get3A_706 = arith.index_cast %scan3A_231 : i32 to index
        %get3A_707 = arith.index_cast %get3A_700 : i32 to index
        %get3A_708 = arith.constant 48 : index
        %get3A_709 = tpu.vector_load %get3A_705[%get3A_706, %get3A_707, %get3A_708] {strides = array<i32>} : memref<8x4x128xf32, #tpu.memory_space<vmem>>, vector<16xf32>,
        %sub3A_710 = arith.subf %get3A_699, %get3A_709 : vector<16xf32>
        %abs3A_711 = math.absf %sub3A_710 : vector<16xf32>
        %min3A_712 = arith.constant 1.000000e+00 : f32
        %min3A_713 = vector.broadcast %min3A_712 : f32 to vector<16xf32>
        %min3A_714 = arith.minimumf %abs3A_711, %min3A_713 : vector<16xf32>
        %add3A_715 = arith.addf %abs3A_711, %abs3A_711 : vector<16xf32>
        %sub3A_716 = arith.subf %add3A_715, %min3A_714 : vector<16xf32>
        %mul3A_717 = arith.mulf %min3A_714, %sub3A_716 : vector<16xf32>
        %get3A_718 = arith.constant 3 : i32
        %get3A_719 = arith.constant 0 : i32
        %get3A_720 = arith.constant 0 : i32
        %get3A_721 = arith.constant 0 : i32
        %get3A_722 = tpu.memref_slice %arg6[%select_n3A_181, %get3A_719, %get3A_720, %get3A_721] : memref<3x8x4x128xf32, #tpu.memory_space<vmem>> -> memref<1x8x4x128xf32, #tpu.memory_space<vmem>>
        %get3A_723 = tpu.memref_squeeze %get3A_722 : memref<1x8x4x128xf32, #tpu.memory_space<vmem>> -> memref<8x4x128xf32, #tpu.memory_space<vmem>>
        %get3A_724 = arith.index_cast %scan3A_231 : i32 to index
        %get3A_725 = arith.index_cast %get3A_718 : i32 to index
        %get3A_726 = arith.constant 48 : index
        %get3A_727 = tpu.vector_load %get3A_723[%get3A_724, %get3A_725, %get3A_726] {strides = array<i32>} : memref<8x4x128xf32, #tpu.memory_space<vmem>>, vector<16xf32>,
        %get3A_728 = arith.constant 3 : i32
        %get3A_729 = arith.constant 0 : i32
        %get3A_730 = arith.constant 0 : i32
        %get3A_731 = arith.constant 0 : i32
        %get3A_732 = tpu.memref_slice %arg7[%select_n3A_181, %get3A_729, %get3A_730, %get3A_731] : memref<3x8x4x128xf32, #tpu.memory_space<vmem>> -> memref<1x8x4x128xf32, #tpu.memory_space<vmem>>
        %get3A_733 = tpu.memref_squeeze %get3A_732 : memref<1x8x4x128xf32, #tpu.memory_space<vmem>> -> memref<8x4x128xf32, #tpu.memory_space<vmem>>
        %get3A_734 = arith.index_cast %scan3A_231 : i32 to index
        %get3A_735 = arith.index_cast %get3A_728 : i32 to index
        %get3A_736 = arith.constant 48 : index
        %get3A_737 = tpu.vector_load %get3A_733[%get3A_734, %get3A_735, %get3A_736] {strides = array<i32>} : memref<8x4x128xf32, #tpu.memory_space<vmem>>, vector<16xf32>,
        %sub3A_738 = arith.subf %get3A_727, %get3A_737 : vector<16xf32>
        %abs3A_739 = math.absf %sub3A_738 : vector<16xf32>
        %min3A_740 = arith.constant 1.000000e+00 : f32
        %min3A_741 = vector.broadcast %min3A_740 : f32 to vector<16xf32>
        %min3A_742 = arith.minimumf %abs3A_739, %min3A_741 : vector<16xf32>
        %add3A_743 = arith.addf %abs3A_739, %abs3A_739 : vector<16xf32>
        %sub3A_744 = arith.subf %add3A_743, %min3A_742 : vector<16xf32>
        %mul3A_745 = arith.mulf %min3A_742, %sub3A_744 : vector<16xf32>
        %add3A_746 = arith.addf %mul3A_661, %mul3A_689 : vector<16xf32>
        %add3A_747 = arith.addf %mul3A_717, %mul3A_745 : vector<16xf32>
        %add3A_748 = arith.addf %add3A_746, %add3A_747 : vector<16xf32>
        %mul3A_749 = arith.mulf %convert_element_type3A_632, %add3A_748 : vector<16xf32>
        %add3A_750 = arith.addf %scan3A_235, %mul3A_749 : vector<16xf32>
        %get3A_751 = arith.constant 0 : i32
        %get3A_752 = arith.constant 0 : i32
        %get3A_753 = arith.constant 0 : i32
        %get3A_754 = arith.constant 0 : i32
        %get3A_755 = tpu.memref_slice %arg8[%select_n3A_181, %get3A_752, %get3A_753, %get3A_754] : memref<3x8x1x128xi32, #tpu.memory_space<vmem>> -> memref<1x8x1x128xi32, #tpu.memory_space<vmem>>
        %get3A_756 = tpu.memref_squeeze %get3A_755 : memref<1x8x1x128xi32, #tpu.memory_space<vmem>> -> memref<8x1x128xi32, #tpu.memory_space<vmem>>
        %get3A_757 = arith.index_cast %scan3A_231 : i32 to index
        %get3A_758 = arith.index_cast %get3A_751 : i32 to index
        %get3A_759 = arith.constant 64 : index
        %get3A_760 = tpu.vector_load %get3A_756[%get3A_757, %get3A_758, %get3A_759] {strides = array<i32>} : memref<8x1x128xi32, #tpu.memory_space<vmem>>, vector<16xi32>,
        %convert_element_type3A_761 = arith.sitofp %get3A_760 : vector<16xi32> to vector<16xf32>
        %add3A_762 = arith.addf %add3A_504, %convert_element_type3A_761 : vector<16xf32>
        %get3A_763 = arith.constant 0 : i32
        %get3A_764 = arith.constant 0 : i32
        %get3A_765 = arith.constant 0 : i32
        %get3A_766 = arith.constant 0 : i32
        %get3A_767 = tpu.memref_slice %arg6[%select_n3A_181, %get3A_764, %get3A_765, %get3A_766] : memref<3x8x4x128xf32, #tpu.memory_space<vmem>> -> memref<1x8x4x128xf32, #tpu.memory_space<vmem>>
        %get3A_768 = tpu.memref_squeeze %get3A_767 : memref<1x8x4x128xf32, #tpu.memory_space<vmem>> -> memref<8x4x128xf32, #tpu.memory_space<vmem>>
        %get3A_769 = arith.index_cast %scan3A_231 : i32 to index
        %get3A_770 = arith.index_cast %get3A_763 : i32 to index
        %get3A_771 = arith.constant 64 : index
        %get3A_772 = tpu.vector_load %get3A_768[%get3A_769, %get3A_770, %get3A_771] {strides = array<i32>} : memref<8x4x128xf32, #tpu.memory_space<vmem>>, vector<16xf32>,
        %get3A_773 = arith.constant 0 : i32
        %get3A_774 = arith.constant 0 : i32
        %get3A_775 = arith.constant 0 : i32
        %get3A_776 = arith.constant 0 : i32
        %get3A_777 = tpu.memref_slice %arg7[%select_n3A_181, %get3A_774, %get3A_775, %get3A_776] : memref<3x8x4x128xf32, #tpu.memory_space<vmem>> -> memref<1x8x4x128xf32, #tpu.memory_space<vmem>>
        %get3A_778 = tpu.memref_squeeze %get3A_777 : memref<1x8x4x128xf32, #tpu.memory_space<vmem>> -> memref<8x4x128xf32, #tpu.memory_space<vmem>>
        %get3A_779 = arith.index_cast %scan3A_231 : i32 to index
        %get3A_780 = arith.index_cast %get3A_773 : i32 to index
        %get3A_781 = arith.constant 64 : index
        %get3A_782 = tpu.vector_load %get3A_778[%get3A_779, %get3A_780, %get3A_781] {strides = array<i32>} : memref<8x4x128xf32, #tpu.memory_space<vmem>>, vector<16xf32>,
        %sub3A_783 = arith.subf %get3A_772, %get3A_782 : vector<16xf32>
        %abs3A_784 = math.absf %sub3A_783 : vector<16xf32>
        %min3A_785 = arith.constant 1.000000e+00 : f32
        %min3A_786 = vector.broadcast %min3A_785 : f32 to vector<16xf32>
        %min3A_787 = arith.minimumf %abs3A_784, %min3A_786 : vector<16xf32>
        %add3A_788 = arith.addf %abs3A_784, %abs3A_784 : vector<16xf32>
        %sub3A_789 = arith.subf %add3A_788, %min3A_787 : vector<16xf32>
        %mul3A_790 = arith.mulf %min3A_787, %sub3A_789 : vector<16xf32>
        %get3A_791 = arith.constant 1 : i32
        %get3A_792 = arith.constant 0 : i32
        %get3A_793 = arith.constant 0 : i32
        %get3A_794 = arith.constant 0 : i32
        %get3A_795 = tpu.memref_slice %arg6[%select_n3A_181, %get3A_792, %get3A_793, %get3A_794] : memref<3x8x4x128xf32, #tpu.memory_space<vmem>> -> memref<1x8x4x128xf32, #tpu.memory_space<vmem>>
        %get3A_796 = tpu.memref_squeeze %get3A_795 : memref<1x8x4x128xf32, #tpu.memory_space<vmem>> -> memref<8x4x128xf32, #tpu.memory_space<vmem>>
        %get3A_797 = arith.index_cast %scan3A_231 : i32 to index
        %get3A_798 = arith.index_cast %get3A_791 : i32 to index
        %get3A_799 = arith.constant 64 : index
        %get3A_800 = tpu.vector_load %get3A_796[%get3A_797, %get3A_798, %get3A_799] {strides = array<i32>} : memref<8x4x128xf32, #tpu.memory_space<vmem>>, vector<16xf32>,
        %get3A_801 = arith.constant 1 : i32
        %get3A_802 = arith.constant 0 : i32
        %get3A_803 = arith.constant 0 : i32
        %get3A_804 = arith.constant 0 : i32
        %get3A_805 = tpu.memref_slice %arg7[%select_n3A_181, %get3A_802, %get3A_803, %get3A_804] : memref<3x8x4x128xf32, #tpu.memory_space<vmem>> -> memref<1x8x4x128xf32, #tpu.memory_space<vmem>>
        %get3A_806 = tpu.memref_squeeze %get3A_805 : memref<1x8x4x128xf32, #tpu.memory_space<vmem>> -> memref<8x4x128xf32, #tpu.memory_space<vmem>>
        %get3A_807 = arith.index_cast %scan3A_231 : i32 to index
        %get3A_808 = arith.index_cast %get3A_801 : i32 to index
        %get3A_809 = arith.constant 64 : index
        %get3A_810 = tpu.vector_load %get3A_806[%get3A_807, %get3A_808, %get3A_809] {strides = array<i32>} : memref<8x4x128xf32, #tpu.memory_space<vmem>>, vector<16xf32>,
        %sub3A_811 = arith.subf %get3A_800, %get3A_810 : vector<16xf32>
        %abs3A_812 = math.absf %sub3A_811 : vector<16xf32>
        %min3A_813 = arith.constant 1.000000e+00 : f32
        %min3A_814 = vector.broadcast %min3A_813 : f32 to vector<16xf32>
        %min3A_815 = arith.minimumf %abs3A_812, %min3A_814 : vector<16xf32>
        %add3A_816 = arith.addf %abs3A_812, %abs3A_812 : vector<16xf32>
        %sub3A_817 = arith.subf %add3A_816, %min3A_815 : vector<16xf32>
        %mul3A_818 = arith.mulf %min3A_815, %sub3A_817 : vector<16xf32>
        %get3A_819 = arith.constant 2 : i32
        %get3A_820 = arith.constant 0 : i32
        %get3A_821 = arith.constant 0 : i32
        %get3A_822 = arith.constant 0 : i32
        %get3A_823 = tpu.memref_slice %arg6[%select_n3A_181, %get3A_820, %get3A_821, %get3A_822] : memref<3x8x4x128xf32, #tpu.memory_space<vmem>> -> memref<1x8x4x128xf32, #tpu.memory_space<vmem>>
        %get3A_824 = tpu.memref_squeeze %get3A_823 : memref<1x8x4x128xf32, #tpu.memory_space<vmem>> -> memref<8x4x128xf32, #tpu.memory_space<vmem>>
        %get3A_825 = arith.index_cast %scan3A_231 : i32 to index
        %get3A_826 = arith.index_cast %get3A_819 : i32 to index
        %get3A_827 = arith.constant 64 : index
        %get3A_828 = tpu.vector_load %get3A_824[%get3A_825, %get3A_826, %get3A_827] {strides = array<i32>} : memref<8x4x128xf32, #tpu.memory_space<vmem>>, vector<16xf32>,
        %get3A_829 = arith.constant 2 : i32
        %get3A_830 = arith.constant 0 : i32
        %get3A_831 = arith.constant 0 : i32
        %get3A_832 = arith.constant 0 : i32
        %get3A_833 = tpu.memref_slice %arg7[%select_n3A_181, %get3A_830, %get3A_831, %get3A_832] : memref<3x8x4x128xf32, #tpu.memory_space<vmem>> -> memref<1x8x4x128xf32, #tpu.memory_space<vmem>>
        %get3A_834 = tpu.memref_squeeze %get3A_833 : memref<1x8x4x128xf32, #tpu.memory_space<vmem>> -> memref<8x4x128xf32, #tpu.memory_space<vmem>>
        %get3A_835 = arith.index_cast %scan3A_231 : i32 to index
        %get3A_836 = arith.index_cast %get3A_829 : i32 to index
        %get3A_837 = arith.constant 64 : index
        %get3A_838 = tpu.vector_load %get3A_834[%get3A_835, %get3A_836, %get3A_837] {strides = array<i32>} : memref<8x4x128xf32, #tpu.memory_space<vmem>>, vector<16xf32>,
        %sub3A_839 = arith.subf %get3A_828, %get3A_838 : vector<16xf32>
        %abs3A_840 = math.absf %sub3A_839 : vector<16xf32>
        %min3A_841 = arith.constant 1.000000e+00 : f32
        %min3A_842 = vector.broadcast %min3A_841 : f32 to vector<16xf32>
        %min3A_843 = arith.minimumf %abs3A_840, %min3A_842 : vector<16xf32>
        %add3A_844 = arith.addf %abs3A_840, %abs3A_840 : vector<16xf32>
        %sub3A_845 = arith.subf %add3A_844, %min3A_843 : vector<16xf32>
        %mul3A_846 = arith.mulf %min3A_843, %sub3A_845 : vector<16xf32>
        %get3A_847 = arith.constant 3 : i32
        %get3A_848 = arith.constant 0 : i32
        %get3A_849 = arith.constant 0 : i32
        %get3A_850 = arith.constant 0 : i32
        %get3A_851 = tpu.memref_slice %arg6[%select_n3A_181, %get3A_848, %get3A_849, %get3A_850] : memref<3x8x4x128xf32, #tpu.memory_space<vmem>> -> memref<1x8x4x128xf32, #tpu.memory_space<vmem>>
        %get3A_852 = tpu.memref_squeeze %get3A_851 : memref<1x8x4x128xf32, #tpu.memory_space<vmem>> -> memref<8x4x128xf32, #tpu.memory_space<vmem>>
        %get3A_853 = arith.index_cast %scan3A_231 : i32 to index
        %get3A_854 = arith.index_cast %get3A_847 : i32 to index
        %get3A_855 = arith.constant 64 : index
        %get3A_856 = tpu.vector_load %get3A_852[%get3A_853, %get3A_854, %get3A_855] {strides = array<i32>} : memref<8x4x128xf32, #tpu.memory_space<vmem>>, vector<16xf32>,
        %get3A_857 = arith.constant 3 : i32
        %get3A_858 = arith.constant 0 : i32
        %get3A_859 = arith.constant 0 : i32
        %get3A_860 = arith.constant 0 : i32
        %get3A_861 = tpu.memref_slice %arg7[%select_n3A_181, %get3A_858, %get3A_859, %get3A_860] : memref<3x8x4x128xf32, #tpu.memory_space<vmem>> -> memref<1x8x4x128xf32, #tpu.memory_space<vmem>>
        %get3A_862 = tpu.memref_squeeze %get3A_861 : memref<1x8x4x128xf32, #tpu.memory_space<vmem>> -> memref<8x4x128xf32, #tpu.memory_space<vmem>>
        %get3A_863 = arith.index_cast %scan3A_231 : i32 to index
        %get3A_864 = arith.index_cast %get3A_857 : i32 to index
        %get3A_865 = arith.constant 64 : index
        %get3A_866 = tpu.vector_load %get3A_862[%get3A_863, %get3A_864, %get3A_865] {strides = array<i32>} : memref<8x4x128xf32, #tpu.memory_space<vmem>>, vector<16xf32>,
        %sub3A_867 = arith.subf %get3A_856, %get3A_866 : vector<16xf32>
        %abs3A_868 = math.absf %sub3A_867 : vector<16xf32>
        %min3A_869 = arith.constant 1.000000e+00 : f32
        %min3A_870 = vector.broadcast %min3A_869 : f32 to vector<16xf32>
        %min3A_871 = arith.minimumf %abs3A_868, %min3A_870 : vector<16xf32>
        %add3A_872 = arith.addf %abs3A_868, %abs3A_868 : vector<16xf32>
        %sub3A_873 = arith.subf %add3A_872, %min3A_871 : vector<16xf32>
        %mul3A_874 = arith.mulf %min3A_871, %sub3A_873 : vector<16xf32>
        %add3A_875 = arith.addf %mul3A_790, %mul3A_818 : vector<16xf32>
        %add3A_876 = arith.addf %mul3A_846, %mul3A_874 : vector<16xf32>
        %add3A_877 = arith.addf %add3A_875, %add3A_876 : vector<16xf32>
        %mul3A_878 = arith.mulf %convert_element_type3A_761, %add3A_877 : vector<16xf32>
        %add3A_879 = arith.addf %add3A_363, %mul3A_878 : vector<16xf32>
        %get3A_880 = arith.constant 0 : i32
        %get3A_881 = arith.constant 0 : i32
        %get3A_882 = arith.constant 0 : i32
        %get3A_883 = arith.constant 0 : i32
        %get3A_884 = tpu.memref_slice %arg8[%select_n3A_181, %get3A_881, %get3A_882, %get3A_883] : memref<3x8x1x128xi32, #tpu.memory_space<vmem>> -> memref<1x8x1x128xi32, #tpu.memory_space<vmem>>
        %get3A_885 = tpu.memref_squeeze %get3A_884 : memref<1x8x1x128xi32, #tpu.memory_space<vmem>> -> memref<8x1x128xi32, #tpu.memory_space<vmem>>
        %get3A_886 = arith.index_cast %scan3A_231 : i32 to index
        %get3A_887 = arith.index_cast %get3A_880 : i32 to index
        %get3A_888 = arith.constant 80 : index
        %get3A_889 = tpu.vector_load %get3A_885[%get3A_886, %get3A_887, %get3A_888] {strides = array<i32>} : memref<8x1x128xi32, #tpu.memory_space<vmem>>, vector<16xi32>,
        %convert_element_type3A_890 = arith.sitofp %get3A_889 : vector<16xi32> to vector<16xf32>
        %add3A_891 = arith.addf %add3A_633, %convert_element_type3A_890 : vector<16xf32>
        %get3A_892 = arith.constant 0 : i32
        %get3A_893 = arith.constant 0 : i32
        %get3A_894 = arith.constant 0 : i32
        %get3A_895 = arith.constant 0 : i32
        %get3A_896 = tpu.memref_slice %arg6[%select_n3A_181, %get3A_893, %get3A_894, %get3A_895] : memref<3x8x4x128xf32, #tpu.memory_space<vmem>> -> memref<1x8x4x128xf32, #tpu.memory_space<vmem>>
        %get3A_897 = tpu.memref_squeeze %get3A_896 : memref<1x8x4x128xf32, #tpu.memory_space<vmem>> -> memref<8x4x128xf32, #tpu.memory_space<vmem>>
        %get3A_898 = arith.index_cast %scan3A_231 : i32 to index
        %get3A_899 = arith.index_cast %get3A_892 : i32 to index
        %get3A_900 = arith.constant 80 : index
        %get3A_901 = tpu.vector_load %get3A_897[%get3A_898, %get3A_899, %get3A_900] {strides = array<i32>} : memref<8x4x128xf32, #tpu.memory_space<vmem>>, vector<16xf32>,
        %get3A_902 = arith.constant 0 : i32
        %get3A_903 = arith.constant 0 : i32
        %get3A_904 = arith.constant 0 : i32
        %get3A_905 = arith.constant 0 : i32
        %get3A_906 = tpu.memref_slice %arg7[%select_n3A_181, %get3A_903, %get3A_904, %get3A_905] : memref<3x8x4x128xf32, #tpu.memory_space<vmem>> -> memref<1x8x4x128xf32, #tpu.memory_space<vmem>>
        %get3A_907 = tpu.memref_squeeze %get3A_906 : memref<1x8x4x128xf32, #tpu.memory_space<vmem>> -> memref<8x4x128xf32, #tpu.memory_space<vmem>>
        %get3A_908 = arith.index_cast %scan3A_231 : i32 to index
        %get3A_909 = arith.index_cast %get3A_902 : i32 to index
        %get3A_910 = arith.constant 80 : index
        %get3A_911 = tpu.vector_load %get3A_907[%get3A_908, %get3A_909, %get3A_910] {strides = array<i32>} : memref<8x4x128xf32, #tpu.memory_space<vmem>>, vector<16xf32>,
        %sub3A_912 = arith.subf %get3A_901, %get3A_911 : vector<16xf32>
        %abs3A_913 = math.absf %sub3A_912 : vector<16xf32>
        %min3A_914 = arith.constant 1.000000e+00 : f32
        %min3A_915 = vector.broadcast %min3A_914 : f32 to vector<16xf32>
        %min3A_916 = arith.minimumf %abs3A_913, %min3A_915 : vector<16xf32>
        %add3A_917 = arith.addf %abs3A_913, %abs3A_913 : vector<16xf32>
        %sub3A_918 = arith.subf %add3A_917, %min3A_916 : vector<16xf32>
        %mul3A_919 = arith.mulf %min3A_916, %sub3A_918 : vector<16xf32>
        %get3A_920 = arith.constant 1 : i32
        %get3A_921 = arith.constant 0 : i32
        %get3A_922 = arith.constant 0 : i32
        %get3A_923 = arith.constant 0 : i32
        %get3A_924 = tpu.memref_slice %arg6[%select_n3A_181, %get3A_921, %get3A_922, %get3A_923] : memref<3x8x4x128xf32, #tpu.memory_space<vmem>> -> memref<1x8x4x128xf32, #tpu.memory_space<vmem>>
        %get3A_925 = tpu.memref_squeeze %get3A_924 : memref<1x8x4x128xf32, #tpu.memory_space<vmem>> -> memref<8x4x128xf32, #tpu.memory_space<vmem>>
        %get3A_926 = arith.index_cast %scan3A_231 : i32 to index
        %get3A_927 = arith.index_cast %get3A_920 : i32 to index
        %get3A_928 = arith.constant 80 : index
        %get3A_929 = tpu.vector_load %get3A_925[%get3A_926, %get3A_927, %get3A_928] {strides = array<i32>} : memref<8x4x128xf32, #tpu.memory_space<vmem>>, vector<16xf32>,
        %get3A_930 = arith.constant 1 : i32
        %get3A_931 = arith.constant 0 : i32
        %get3A_932 = arith.constant 0 : i32
        %get3A_933 = arith.constant 0 : i32
        %get3A_934 = tpu.memref_slice %arg7[%select_n3A_181, %get3A_931, %get3A_932, %get3A_933] : memref<3x8x4x128xf32, #tpu.memory_space<vmem>> -> memref<1x8x4x128xf32, #tpu.memory_space<vmem>>
        %get3A_935 = tpu.memref_squeeze %get3A_934 : memref<1x8x4x128xf32, #tpu.memory_space<vmem>> -> memref<8x4x128xf32, #tpu.memory_space<vmem>>
        %get3A_936 = arith.index_cast %scan3A_231 : i32 to index
        %get3A_937 = arith.index_cast %get3A_930 : i32 to index
        %get3A_938 = arith.constant 80 : index
        %get3A_939 = tpu.vector_load %get3A_935[%get3A_936, %get3A_937, %get3A_938] {strides = array<i32>} : memref<8x4x128xf32, #tpu.memory_space<vmem>>, vector<16xf32>,
        %sub3A_940 = arith.subf %get3A_929, %get3A_939 : vector<16xf32>
        %abs3A_941 = math.absf %sub3A_940 : vector<16xf32>
        %min3A_942 = arith.constant 1.000000e+00 : f32
        %min3A_943 = vector.broadcast %min3A_942 : f32 to vector<16xf32>
        %min3A_944 = arith.minimumf %abs3A_941, %min3A_943 : vector<16xf32>
        %add3A_945 = arith.addf %abs3A_941, %abs3A_941 : vector<16xf32>
        %sub3A_946 = arith.subf %add3A_945, %min3A_944 : vector<16xf32>
        %mul3A_947 = arith.mulf %min3A_944, %sub3A_946 : vector<16xf32>
        %get3A_948 = arith.constant 2 : i32
        %get3A_949 = arith.constant 0 : i32
        %get3A_950 = arith.constant 0 : i32
        %get3A_951 = arith.constant 0 : i32
        %get3A_952 = tpu.memref_slice %arg6[%select_n3A_181, %get3A_949, %get3A_950, %get3A_951] : memref<3x8x4x128xf32, #tpu.memory_space<vmem>> -> memref<1x8x4x128xf32, #tpu.memory_space<vmem>>
        %get3A_953 = tpu.memref_squeeze %get3A_952 : memref<1x8x4x128xf32, #tpu.memory_space<vmem>> -> memref<8x4x128xf32, #tpu.memory_space<vmem>>
        %get3A_954 = arith.index_cast %scan3A_231 : i32 to index
        %get3A_955 = arith.index_cast %get3A_948 : i32 to index
        %get3A_956 = arith.constant 80 : index
        %get3A_957 = tpu.vector_load %get3A_953[%get3A_954, %get3A_955, %get3A_956] {strides = array<i32>} : memref<8x4x128xf32, #tpu.memory_space<vmem>>, vector<16xf32>,
        %get3A_958 = arith.constant 2 : i32
        %get3A_959 = arith.constant 0 : i32
        %get3A_960 = arith.constant 0 : i32
        %get3A_961 = arith.constant 0 : i32
        %get3A_962 = tpu.memref_slice %arg7[%select_n3A_181, %get3A_959, %get3A_960, %get3A_961] : memref<3x8x4x128xf32, #tpu.memory_space<vmem>> -> memref<1x8x4x128xf32, #tpu.memory_space<vmem>>
        %get3A_963 = tpu.memref_squeeze %get3A_962 : memref<1x8x4x128xf32, #tpu.memory_space<vmem>> -> memref<8x4x128xf32, #tpu.memory_space<vmem>>
        %get3A_964 = arith.index_cast %scan3A_231 : i32 to index
        %get3A_965 = arith.index_cast %get3A_958 : i32 to index
        %get3A_966 = arith.constant 80 : index
        %get3A_967 = tpu.vector_load %get3A_963[%get3A_964, %get3A_965, %get3A_966] {strides = array<i32>} : memref<8x4x128xf32, #tpu.memory_space<vmem>>, vector<16xf32>,
        %sub3A_968 = arith.subf %get3A_957, %get3A_967 : vector<16xf32>
        %abs3A_969 = math.absf %sub3A_968 : vector<16xf32>
        %min3A_970 = arith.constant 1.000000e+00 : f32
        %min3A_971 = vector.broadcast %min3A_970 : f32 to vector<16xf32>
        %min3A_972 = arith.minimumf %abs3A_969, %min3A_971 : vector<16xf32>
        %add3A_973 = arith.addf %abs3A_969, %abs3A_969 : vector<16xf32>
        %sub3A_974 = arith.subf %add3A_973, %min3A_972 : vector<16xf32>
        %mul3A_975 = arith.mulf %min3A_972, %sub3A_974 : vector<16xf32>
        %get3A_976 = arith.constant 3 : i32
        %get3A_977 = arith.constant 0 : i32
        %get3A_978 = arith.constant 0 : i32
        %get3A_979 = arith.constant 0 : i32
        %get3A_980 = tpu.memref_slice %arg6[%select_n3A_181, %get3A_977, %get3A_978, %get3A_979] : memref<3x8x4x128xf32, #tpu.memory_space<vmem>> -> memref<1x8x4x128xf32, #tpu.memory_space<vmem>>
        %get3A_981 = tpu.memref_squeeze %get3A_980 : memref<1x8x4x128xf32, #tpu.memory_space<vmem>> -> memref<8x4x128xf32, #tpu.memory_space<vmem>>
        %get3A_982 = arith.index_cast %scan3A_231 : i32 to index
        %get3A_983 = arith.index_cast %get3A_976 : i32 to index
        %get3A_984 = arith.constant 80 : index
        %get3A_985 = tpu.vector_load %get3A_981[%get3A_982, %get3A_983, %get3A_984] {strides = array<i32>} : memref<8x4x128xf32, #tpu.memory_space<vmem>>, vector<16xf32>,
        %get3A_986 = arith.constant 3 : i32
        %get3A_987 = arith.constant 0 : i32
        %get3A_988 = arith.constant 0 : i32
        %get3A_989 = arith.constant 0 : i32
        %get3A_990 = tpu.memref_slice %arg7[%select_n3A_181, %get3A_987, %get3A_988, %get3A_989] : memref<3x8x4x128xf32, #tpu.memory_space<vmem>> -> memref<1x8x4x128xf32, #tpu.memory_space<vmem>>
        %get3A_991 = tpu.memref_squeeze %get3A_990 : memref<1x8x4x128xf32, #tpu.memory_space<vmem>> -> memref<8x4x128xf32, #tpu.memory_space<vmem>>
        %get3A_992 = arith.index_cast %scan3A_231 : i32 to index
        %get3A_993 = arith.index_cast %get3A_986 : i32 to index
        %get3A_994 = arith.constant 80 : index
        %get3A_995 = tpu.vector_load %get3A_991[%get3A_992, %get3A_993, %get3A_994] {strides = array<i32>} : memref<8x4x128xf32, #tpu.memory_space<vmem>>, vector<16xf32>,
        %sub3A_996 = arith.subf %get3A_985, %get3A_995 : vector<16xf32>
        %abs3A_997 = math.absf %sub3A_996 : vector<16xf32>
        %min3A_998 = arith.constant 1.000000e+00 : f32
        %min3A_999 = vector.broadcast %min3A_998 : f32 to vector<16xf32>
        %min3A_1000 = arith.minimumf %abs3A_997, %min3A_999 : vector<16xf32>
        %add3A_1001 = arith.addf %abs3A_997, %abs3A_997 : vector<16xf32>
        %sub3A_1002 = arith.subf %add3A_1001, %min3A_1000 : vector<16xf32>
        %mul3A_1003 = arith.mulf %min3A_1000, %sub3A_1002 : vector<16xf32>
        %add3A_1004 = arith.addf %mul3A_919, %mul3A_947 : vector<16xf32>
        %add3A_1005 = arith.addf %mul3A_975, %mul3A_1003 : vector<16xf32>
        %add3A_1006 = arith.addf %add3A_1004, %add3A_1005 : vector<16xf32>
        %mul3A_1007 = arith.mulf %convert_element_type3A_890, %add3A_1006 : vector<16xf32>
        %add3A_1008 = arith.addf %add3A_492, %mul3A_1007 : vector<16xf32>
        %get3A_1009 = arith.constant 0 : i32
        %get3A_1010 = arith.constant 0 : i32
        %get3A_1011 = arith.constant 0 : i32
        %get3A_1012 = arith.constant 0 : i32
        %get3A_1013 = tpu.memref_slice %arg8[%select_n3A_181, %get3A_1010, %get3A_1011, %get3A_1012] : memref<3x8x1x128xi32, #tpu.memory_space<vmem>> -> memref<1x8x1x128xi32, #tpu.memory_space<vmem>>
        %get3A_1014 = tpu.memref_squeeze %get3A_1013 : memref<1x8x1x128xi32, #tpu.memory_space<vmem>> -> memref<8x1x128xi32, #tpu.memory_space<vmem>>
        %get3A_1015 = arith.index_cast %scan3A_231 : i32 to index
        %get3A_1016 = arith.index_cast %get3A_1009 : i32 to index
        %get3A_1017 = arith.constant 96 : index
        %get3A_1018 = tpu.vector_load %get3A_1014[%get3A_1015, %get3A_1016, %get3A_1017] {strides = array<i32>} : memref<8x1x128xi32, #tpu.memory_space<vmem>>, vector<16xi32>,
        %convert_element_type3A_1019 = arith.sitofp %get3A_1018 : vector<16xi32> to vector<16xf32>
        %add3A_1020 = arith.addf %add3A_762, %convert_element_type3A_1019 : vector<16xf32>
        %get3A_1021 = arith.constant 0 : i32
        %get3A_1022 = arith.constant 0 : i32
        %get3A_1023 = arith.constant 0 : i32
        %get3A_1024 = arith.constant 0 : i32
        %get3A_1025 = tpu.memref_slice %arg6[%select_n3A_181, %get3A_1022, %get3A_1023, %get3A_1024] : memref<3x8x4x128xf32, #tpu.memory_space<vmem>> -> memref<1x8x4x128xf32, #tpu.memory_space<vmem>>
        %get3A_1026 = tpu.memref_squeeze %get3A_1025 : memref<1x8x4x128xf32, #tpu.memory_space<vmem>> -> memref<8x4x128xf32, #tpu.memory_space<vmem>>
        %get3A_1027 = arith.index_cast %scan3A_231 : i32 to index
        %get3A_1028 = arith.index_cast %get3A_1021 : i32 to index
        %get3A_1029 = arith.constant 96 : index
        %get3A_1030 = tpu.vector_load %get3A_1026[%get3A_1027, %get3A_1028, %get3A_1029] {strides = array<i32>} : memref<8x4x128xf32, #tpu.memory_space<vmem>>, vector<16xf32>,
        %get3A_1031 = arith.constant 0 : i32
        %get3A_1032 = arith.constant 0 : i32
        %get3A_1033 = arith.constant 0 : i32
        %get3A_1034 = arith.constant 0 : i32
        %get3A_1035 = tpu.memref_slice %arg7[%select_n3A_181, %get3A_1032, %get3A_1033, %get3A_1034] : memref<3x8x4x128xf32, #tpu.memory_space<vmem>> -> memref<1x8x4x128xf32, #tpu.memory_space<vmem>>
        %get3A_1036 = tpu.memref_squeeze %get3A_1035 : memref<1x8x4x128xf32, #tpu.memory_space<vmem>> -> memref<8x4x128xf32, #tpu.memory_space<vmem>>
        %get3A_1037 = arith.index_cast %scan3A_231 : i32 to index
        %get3A_1038 = arith.index_cast %get3A_1031 : i32 to index
        %get3A_1039 = arith.constant 96 : index
        %get3A_1040 = tpu.vector_load %get3A_1036[%get3A_1037, %get3A_1038, %get3A_1039] {strides = array<i32>} : memref<8x4x128xf32, #tpu.memory_space<vmem>>, vector<16xf32>,
        %sub3A_1041 = arith.subf %get3A_1030, %get3A_1040 : vector<16xf32>
        %abs3A_1042 = math.absf %sub3A_1041 : vector<16xf32>
        %min3A_1043 = arith.constant 1.000000e+00 : f32
        %min3A_1044 = vector.broadcast %min3A_1043 : f32 to vector<16xf32>
        %min3A_1045 = arith.minimumf %abs3A_1042, %min3A_1044 : vector<16xf32>
        %add3A_1046 = arith.addf %abs3A_1042, %abs3A_1042 : vector<16xf32>
        %sub3A_1047 = arith.subf %add3A_1046, %min3A_1045 : vector<16xf32>
        %mul3A_1048 = arith.mulf %min3A_1045, %sub3A_1047 : vector<16xf32>
        %get3A_1049 = arith.constant 1 : i32
        %get3A_1050 = arith.constant 0 : i32
        %get3A_1051 = arith.constant 0 : i32
        %get3A_1052 = arith.constant 0 : i32
        %get3A_1053 = tpu.memref_slice %arg6[%select_n3A_181, %get3A_1050, %get3A_1051, %get3A_1052] : memref<3x8x4x128xf32, #tpu.memory_space<vmem>> -> memref<1x8x4x128xf32, #tpu.memory_space<vmem>>
        %get3A_1054 = tpu.memref_squeeze %get3A_1053 : memref<1x8x4x128xf32, #tpu.memory_space<vmem>> -> memref<8x4x128xf32, #tpu.memory_space<vmem>>
        %get3A_1055 = arith.index_cast %scan3A_231 : i32 to index
        %get3A_1056 = arith.index_cast %get3A_1049 : i32 to index
        %get3A_1057 = arith.constant 96 : index
        %get3A_1058 = tpu.vector_load %get3A_1054[%get3A_1055, %get3A_1056, %get3A_1057] {strides = array<i32>} : memref<8x4x128xf32, #tpu.memory_space<vmem>>, vector<16xf32>,
        %get3A_1059 = arith.constant 1 : i32
        %get3A_1060 = arith.constant 0 : i32
        %get3A_1061 = arith.constant 0 : i32
        %get3A_1062 = arith.constant 0 : i32
        %get3A_1063 = tpu.memref_slice %arg7[%select_n3A_181, %get3A_1060, %get3A_1061, %get3A_1062] : memref<3x8x4x128xf32, #tpu.memory_space<vmem>> -> memref<1x8x4x128xf32, #tpu.memory_space<vmem>>
        %get3A_1064 = tpu.memref_squeeze %get3A_1063 : memref<1x8x4x128xf32, #tpu.memory_space<vmem>> -> memref<8x4x128xf32, #tpu.memory_space<vmem>>
        %get3A_1065 = arith.index_cast %scan3A_231 : i32 to index
        %get3A_1066 = arith.index_cast %get3A_1059 : i32 to index
        %get3A_1067 = arith.constant 96 : index
        %get3A_1068 = tpu.vector_load %get3A_1064[%get3A_1065, %get3A_1066, %get3A_1067] {strides = array<i32>} : memref<8x4x128xf32, #tpu.memory_space<vmem>>, vector<16xf32>,
        %sub3A_1069 = arith.subf %get3A_1058, %get3A_1068 : vector<16xf32>
        %abs3A_1070 = math.absf %sub3A_1069 : vector<16xf32>
        %min3A_1071 = arith.constant 1.000000e+00 : f32
        %min3A_1072 = vector.broadcast %min3A_1071 : f32 to vector<16xf32>
        %min3A_1073 = arith.minimumf %abs3A_1070, %min3A_1072 : vector<16xf32>
        %add3A_1074 = arith.addf %abs3A_1070, %abs3A_1070 : vector<16xf32>
        %sub3A_1075 = arith.subf %add3A_1074, %min3A_1073 : vector<16xf32>
        %mul3A_1076 = arith.mulf %min3A_1073, %sub3A_1075 : vector<16xf32>
        %get3A_1077 = arith.constant 2 : i32
        %get3A_1078 = arith.constant 0 : i32
        %get3A_1079 = arith.constant 0 : i32
        %get3A_1080 = arith.constant 0 : i32
        %get3A_1081 = tpu.memref_slice %arg6[%select_n3A_181, %get3A_1078, %get3A_1079, %get3A_1080] : memref<3x8x4x128xf32, #tpu.memory_space<vmem>> -> memref<1x8x4x128xf32, #tpu.memory_space<vmem>>
        %get3A_1082 = tpu.memref_squeeze %get3A_1081 : memref<1x8x4x128xf32, #tpu.memory_space<vmem>> -> memref<8x4x128xf32, #tpu.memory_space<vmem>>
        %get3A_1083 = arith.index_cast %scan3A_231 : i32 to index
        %get3A_1084 = arith.index_cast %get3A_1077 : i32 to index
        %get3A_1085 = arith.constant 96 : index
        %get3A_1086 = tpu.vector_load %get3A_1082[%get3A_1083, %get3A_1084, %get3A_1085] {strides = array<i32>} : memref<8x4x128xf32, #tpu.memory_space<vmem>>, vector<16xf32>,
        %get3A_1087 = arith.constant 2 : i32
        %get3A_1088 = arith.constant 0 : i32
        %get3A_1089 = arith.constant 0 : i32
        %get3A_1090 = arith.constant 0 : i32
        %get3A_1091 = tpu.memref_slice %arg7[%select_n3A_181, %get3A_1088, %get3A_1089, %get3A_1090] : memref<3x8x4x128xf32, #tpu.memory_space<vmem>> -> memref<1x8x4x128xf32, #tpu.memory_space<vmem>>
        %get3A_1092 = tpu.memref_squeeze %get3A_1091 : memref<1x8x4x128xf32, #tpu.memory_space<vmem>> -> memref<8x4x128xf32, #tpu.memory_space<vmem>>
        %get3A_1093 = arith.index_cast %scan3A_231 : i32 to index
        %get3A_1094 = arith.index_cast %get3A_1087 : i32 to index
        %get3A_1095 = arith.constant 96 : index
        %get3A_1096 = tpu.vector_load %get3A_1092[%get3A_1093, %get3A_1094, %get3A_1095] {strides = array<i32>} : memref<8x4x128xf32, #tpu.memory_space<vmem>>, vector<16xf32>,
        %sub3A_1097 = arith.subf %get3A_1086, %get3A_1096 : vector<16xf32>
        %abs3A_1098 = math.absf %sub3A_1097 : vector<16xf32>
        %min3A_1099 = arith.constant 1.000000e+00 : f32
        %min3A_1100 = vector.broadcast %min3A_1099 : f32 to vector<16xf32>
        %min3A_1101 = arith.minimumf %abs3A_1098, %min3A_1100 : vector<16xf32>
        %add3A_1102 = arith.addf %abs3A_1098, %abs3A_1098 : vector<16xf32>
        %sub3A_1103 = arith.subf %add3A_1102, %min3A_1101 : vector<16xf32>
        %mul3A_1104 = arith.mulf %min3A_1101, %sub3A_1103 : vector<16xf32>
        %get3A_1105 = arith.constant 3 : i32
        %get3A_1106 = arith.constant 0 : i32
        %get3A_1107 = arith.constant 0 : i32
        %get3A_1108 = arith.constant 0 : i32
        %get3A_1109 = tpu.memref_slice %arg6[%select_n3A_181, %get3A_1106, %get3A_1107, %get3A_1108] : memref<3x8x4x128xf32, #tpu.memory_space<vmem>> -> memref<1x8x4x128xf32, #tpu.memory_space<vmem>>
        %get3A_1110 = tpu.memref_squeeze %get3A_1109 : memref<1x8x4x128xf32, #tpu.memory_space<vmem>> -> memref<8x4x128xf32, #tpu.memory_space<vmem>>
        %get3A_1111 = arith.index_cast %scan3A_231 : i32 to index
        %get3A_1112 = arith.index_cast %get3A_1105 : i32 to index
        %get3A_1113 = arith.constant 96 : index
        %get3A_1114 = tpu.vector_load %get3A_1110[%get3A_1111, %get3A_1112, %get3A_1113] {strides = array<i32>} : memref<8x4x128xf32, #tpu.memory_space<vmem>>, vector<16xf32>,
        %get3A_1115 = arith.constant 3 : i32
        %get3A_1116 = arith.constant 0 : i32
        %get3A_1117 = arith.constant 0 : i32
        %get3A_1118 = arith.constant 0 : i32
        %get3A_1119 = tpu.memref_slice %arg7[%select_n3A_181, %get3A_1116, %get3A_1117, %get3A_1118] : memref<3x8x4x128xf32, #tpu.memory_space<vmem>> -> memref<1x8x4x128xf32, #tpu.memory_space<vmem>>
        %get3A_1120 = tpu.memref_squeeze %get3A_1119 : memref<1x8x4x128xf32, #tpu.memory_space<vmem>> -> memref<8x4x128xf32, #tpu.memory_space<vmem>>
        %get3A_1121 = arith.index_cast %scan3A_231 : i32 to index
        %get3A_1122 = arith.index_cast %get3A_1115 : i32 to index
        %get3A_1123 = arith.constant 96 : index
        %get3A_1124 = tpu.vector_load %get3A_1120[%get3A_1121, %get3A_1122, %get3A_1123] {strides = array<i32>} : memref<8x4x128xf32, #tpu.memory_space<vmem>>, vector<16xf32>,
        %sub3A_1125 = arith.subf %get3A_1114, %get3A_1124 : vector<16xf32>
        %abs3A_1126 = math.absf %sub3A_1125 : vector<16xf32>
        %min3A_1127 = arith.constant 1.000000e+00 : f32
        %min3A_1128 = vector.broadcast %min3A_1127 : f32 to vector<16xf32>
        %min3A_1129 = arith.minimumf %abs3A_1126, %min3A_1128 : vector<16xf32>
        %add3A_1130 = arith.addf %abs3A_1126, %abs3A_1126 : vector<16xf32>
        %sub3A_1131 = arith.subf %add3A_1130, %min3A_1129 : vector<16xf32>
        %mul3A_1132 = arith.mulf %min3A_1129, %sub3A_1131 : vector<16xf32>
        %add3A_1133 = arith.addf %mul3A_1048, %mul3A_1076 : vector<16xf32>
        %add3A_1134 = arith.addf %mul3A_1104, %mul3A_1132 : vector<16xf32>
        %add3A_1135 = arith.addf %add3A_1133, %add3A_1134 : vector<16xf32>
        %mul3A_1136 = arith.mulf %convert_element_type3A_1019, %add3A_1135 : vector<16xf32>
        %add3A_1137 = arith.addf %add3A_621, %mul3A_1136 : vector<16xf32>
        %get3A_1138 = arith.constant 0 : i32
        %get3A_1139 = arith.constant 0 : i32
        %get3A_1140 = arith.constant 0 : i32
        %get3A_1141 = arith.constant 0 : i32
        %get3A_1142 = tpu.memref_slice %arg8[%select_n3A_181, %get3A_1139, %get3A_1140, %get3A_1141] : memref<3x8x1x128xi32, #tpu.memory_space<vmem>> -> memref<1x8x1x128xi32, #tpu.memory_space<vmem>>
        %get3A_1143 = tpu.memref_squeeze %get3A_1142 : memref<1x8x1x128xi32, #tpu.memory_space<vmem>> -> memref<8x1x128xi32, #tpu.memory_space<vmem>>
        %get3A_1144 = arith.index_cast %scan3A_231 : i32 to index
        %get3A_1145 = arith.index_cast %get3A_1138 : i32 to index
        %get3A_1146 = arith.constant 112 : index
        %get3A_1147 = tpu.vector_load %get3A_1143[%get3A_1144, %get3A_1145, %get3A_1146] {strides = array<i32>} : memref<8x1x128xi32, #tpu.memory_space<vmem>>, vector<16xi32>,
        %convert_element_type3A_1148 = arith.sitofp %get3A_1147 : vector<16xi32> to vector<16xf32>
        %add3A_1149 = arith.addf %add3A_891, %convert_element_type3A_1148 : vector<16xf32>
        %get3A_1150 = arith.constant 0 : i32
        %get3A_1151 = arith.constant 0 : i32
        %get3A_1152 = arith.constant 0 : i32
        %get3A_1153 = arith.constant 0 : i32
        %get3A_1154 = tpu.memref_slice %arg6[%select_n3A_181, %get3A_1151, %get3A_1152, %get3A_1153] : memref<3x8x4x128xf32, #tpu.memory_space<vmem>> -> memref<1x8x4x128xf32, #tpu.memory_space<vmem>>
        %get3A_1155 = tpu.memref_squeeze %get3A_1154 : memref<1x8x4x128xf32, #tpu.memory_space<vmem>> -> memref<8x4x128xf32, #tpu.memory_space<vmem>>
        %get3A_1156 = arith.index_cast %scan3A_231 : i32 to index
        %get3A_1157 = arith.index_cast %get3A_1150 : i32 to index
        %get3A_1158 = arith.constant 112 : index
        %get3A_1159 = tpu.vector_load %get3A_1155[%get3A_1156, %get3A_1157, %get3A_1158] {strides = array<i32>} : memref<8x4x128xf32, #tpu.memory_space<vmem>>, vector<16xf32>,
        %get3A_1160 = arith.constant 0 : i32
        %get3A_1161 = arith.constant 0 : i32
        %get3A_1162 = arith.constant 0 : i32
        %get3A_1163 = arith.constant 0 : i32
        %get3A_1164 = tpu.memref_slice %arg7[%select_n3A_181, %get3A_1161, %get3A_1162, %get3A_1163] : memref<3x8x4x128xf32, #tpu.memory_space<vmem>> -> memref<1x8x4x128xf32, #tpu.memory_space<vmem>>
        %get3A_1165 = tpu.memref_squeeze %get3A_1164 : memref<1x8x4x128xf32, #tpu.memory_space<vmem>> -> memref<8x4x128xf32, #tpu.memory_space<vmem>>
        %get3A_1166 = arith.index_cast %scan3A_231 : i32 to index
        %get3A_1167 = arith.index_cast %get3A_1160 : i32 to index
        %get3A_1168 = arith.constant 112 : index
        %get3A_1169 = tpu.vector_load %get3A_1165[%get3A_1166, %get3A_1167, %get3A_1168] {strides = array<i32>} : memref<8x4x128xf32, #tpu.memory_space<vmem>>, vector<16xf32>,
        %sub3A_1170 = arith.subf %get3A_1159, %get3A_1169 : vector<16xf32>
        %abs3A_1171 = math.absf %sub3A_1170 : vector<16xf32>
        %min3A_1172 = arith.constant 1.000000e+00 : f32
        %min3A_1173 = vector.broadcast %min3A_1172 : f32 to vector<16xf32>
        %min3A_1174 = arith.minimumf %abs3A_1171, %min3A_1173 : vector<16xf32>
        %add3A_1175 = arith.addf %abs3A_1171, %abs3A_1171 : vector<16xf32>
        %sub3A_1176 = arith.subf %add3A_1175, %min3A_1174 : vector<16xf32>
        %mul3A_1177 = arith.mulf %min3A_1174, %sub3A_1176 : vector<16xf32>
        %get3A_1178 = arith.constant 1 : i32
        %get3A_1179 = arith.constant 0 : i32
        %get3A_1180 = arith.constant 0 : i32
        %get3A_1181 = arith.constant 0 : i32
        %get3A_1182 = tpu.memref_slice %arg6[%select_n3A_181, %get3A_1179, %get3A_1180, %get3A_1181] : memref<3x8x4x128xf32, #tpu.memory_space<vmem>> -> memref<1x8x4x128xf32, #tpu.memory_space<vmem>>
        %get3A_1183 = tpu.memref_squeeze %get3A_1182 : memref<1x8x4x128xf32, #tpu.memory_space<vmem>> -> memref<8x4x128xf32, #tpu.memory_space<vmem>>
        %get3A_1184 = arith.index_cast %scan3A_231 : i32 to index
        %get3A_1185 = arith.index_cast %get3A_1178 : i32 to index
        %get3A_1186 = arith.constant 112 : index
        %get3A_1187 = tpu.vector_load %get3A_1183[%get3A_1184, %get3A_1185, %get3A_1186] {strides = array<i32>} : memref<8x4x128xf32, #tpu.memory_space<vmem>>, vector<16xf32>,
        %get3A_1188 = arith.constant 1 : i32
        %get3A_1189 = arith.constant 0 : i32
        %get3A_1190 = arith.constant 0 : i32
        %get3A_1191 = arith.constant 0 : i32
        %get3A_1192 = tpu.memref_slice %arg7[%select_n3A_181, %get3A_1189, %get3A_1190, %get3A_1191] : memref<3x8x4x128xf32, #tpu.memory_space<vmem>> -> memref<1x8x4x128xf32, #tpu.memory_space<vmem>>
        %get3A_1193 = tpu.memref_squeeze %get3A_1192 : memref<1x8x4x128xf32, #tpu.memory_space<vmem>> -> memref<8x4x128xf32, #tpu.memory_space<vmem>>
        %get3A_1194 = arith.index_cast %scan3A_231 : i32 to index
        %get3A_1195 = arith.index_cast %get3A_1188 : i32 to index
        %get3A_1196 = arith.constant 112 : index
        %get3A_1197 = tpu.vector_load %get3A_1193[%get3A_1194, %get3A_1195, %get3A_1196] {strides = array<i32>} : memref<8x4x128xf32, #tpu.memory_space<vmem>>, vector<16xf32>,
        %sub3A_1198 = arith.subf %get3A_1187, %get3A_1197 : vector<16xf32>
        %abs3A_1199 = math.absf %sub3A_1198 : vector<16xf32>
        %min3A_1200 = arith.constant 1.000000e+00 : f32
        %min3A_1201 = vector.broadcast %min3A_1200 : f32 to vector<16xf32>
        %min3A_1202 = arith.minimumf %abs3A_1199, %min3A_1201 : vector<16xf32>
        %add3A_1203 = arith.addf %abs3A_1199, %abs3A_1199 : vector<16xf32>
        %sub3A_1204 = arith.subf %add3A_1203, %min3A_1202 : vector<16xf32>
        %mul3A_1205 = arith.mulf %min3A_1202, %sub3A_1204 : vector<16xf32>
        %get3A_1206 = arith.constant 2 : i32
        %get3A_1207 = arith.constant 0 : i32
        %get3A_1208 = arith.constant 0 : i32
        %get3A_1209 = arith.constant 0 : i32
        %get3A_1210 = tpu.memref_slice %arg6[%select_n3A_181, %get3A_1207, %get3A_1208, %get3A_1209] : memref<3x8x4x128xf32, #tpu.memory_space<vmem>> -> memref<1x8x4x128xf32, #tpu.memory_space<vmem>>
        %get3A_1211 = tpu.memref_squeeze %get3A_1210 : memref<1x8x4x128xf32, #tpu.memory_space<vmem>> -> memref<8x4x128xf32, #tpu.memory_space<vmem>>
        %get3A_1212 = arith.index_cast %scan3A_231 : i32 to index
        %get3A_1213 = arith.index_cast %get3A_1206 : i32 to index
        %get3A_1214 = arith.constant 112 : index
        %get3A_1215 = tpu.vector_load %get3A_1211[%get3A_1212, %get3A_1213, %get3A_1214] {strides = array<i32>} : memref<8x4x128xf32, #tpu.memory_space<vmem>>, vector<16xf32>,
        %get3A_1216 = arith.constant 2 : i32
        %get3A_1217 = arith.constant 0 : i32
        %get3A_1218 = arith.constant 0 : i32
        %get3A_1219 = arith.constant 0 : i32
        %get3A_1220 = tpu.memref_slice %arg7[%select_n3A_181, %get3A_1217, %get3A_1218, %get3A_1219] : memref<3x8x4x128xf32, #tpu.memory_space<vmem>> -> memref<1x8x4x128xf32, #tpu.memory_space<vmem>>
        %get3A_1221 = tpu.memref_squeeze %get3A_1220 : memref<1x8x4x128xf32, #tpu.memory_space<vmem>> -> memref<8x4x128xf32, #tpu.memory_space<vmem>>
        %get3A_1222 = arith.index_cast %scan3A_231 : i32 to index
        %get3A_1223 = arith.index_cast %get3A_1216 : i32 to index
        %get3A_1224 = arith.constant 112 : index
        %get3A_1225 = tpu.vector_load %get3A_1221[%get3A_1222, %get3A_1223, %get3A_1224] {strides = array<i32>} : memref<8x4x128xf32, #tpu.memory_space<vmem>>, vector<16xf32>,
        %sub3A_1226 = arith.subf %get3A_1215, %get3A_1225 : vector<16xf32>
        %abs3A_1227 = math.absf %sub3A_1226 : vector<16xf32>
        %min3A_1228 = arith.constant 1.000000e+00 : f32
        %min3A_1229 = vector.broadcast %min3A_1228 : f32 to vector<16xf32>
        %min3A_1230 = arith.minimumf %abs3A_1227, %min3A_1229 : vector<16xf32>
        %add3A_1231 = arith.addf %abs3A_1227, %abs3A_1227 : vector<16xf32>
        %sub3A_1232 = arith.subf %add3A_1231, %min3A_1230 : vector<16xf32>
        %mul3A_1233 = arith.mulf %min3A_1230, %sub3A_1232 : vector<16xf32>
        %get3A_1234 = arith.constant 3 : i32
        %get3A_1235 = arith.constant 0 : i32
        %get3A_1236 = arith.constant 0 : i32
        %get3A_1237 = arith.constant 0 : i32
        %get3A_1238 = tpu.memref_slice %arg6[%select_n3A_181, %get3A_1235, %get3A_1236, %get3A_1237] : memref<3x8x4x128xf32, #tpu.memory_space<vmem>> -> memref<1x8x4x128xf32, #tpu.memory_space<vmem>>
        %get3A_1239 = tpu.memref_squeeze %get3A_1238 : memref<1x8x4x128xf32, #tpu.memory_space<vmem>> -> memref<8x4x128xf32, #tpu.memory_space<vmem>>
        %get3A_1240 = arith.index_cast %scan3A_231 : i32 to index
        %get3A_1241 = arith.index_cast %get3A_1234 : i32 to index
        %get3A_1242 = arith.constant 112 : index
        %get3A_1243 = tpu.vector_load %get3A_1239[%get3A_1240, %get3A_1241, %get3A_1242] {strides = array<i32>} : memref<8x4x128xf32, #tpu.memory_space<vmem>>, vector<16xf32>,
        %get3A_1244 = arith.constant 3 : i32
        %get3A_1245 = arith.constant 0 : i32
        %get3A_1246 = arith.constant 0 : i32
        %get3A_1247 = arith.constant 0 : i32
        %get3A_1248 = tpu.memref_slice %arg7[%select_n3A_181, %get3A_1245, %get3A_1246, %get3A_1247] : memref<3x8x4x128xf32, #tpu.memory_space<vmem>> -> memref<1x8x4x128xf32, #tpu.memory_space<vmem>>
        %get3A_1249 = tpu.memref_squeeze %get3A_1248 : memref<1x8x4x128xf32, #tpu.memory_space<vmem>> -> memref<8x4x128xf32, #tpu.memory_space<vmem>>
        %get3A_1250 = arith.index_cast %scan3A_231 : i32 to index
        %get3A_1251 = arith.index_cast %get3A_1244 : i32 to index
        %get3A_1252 = arith.constant 112 : index
        %get3A_1253 = tpu.vector_load %get3A_1249[%get3A_1250, %get3A_1251, %get3A_1252] {strides = array<i32>} : memref<8x4x128xf32, #tpu.memory_space<vmem>>, vector<16xf32>,
        %sub3A_1254 = arith.subf %get3A_1243, %get3A_1253 : vector<16xf32>
        %abs3A_1255 = math.absf %sub3A_1254 : vector<16xf32>
        %min3A_1256 = arith.constant 1.000000e+00 : f32
        %min3A_1257 = vector.broadcast %min3A_1256 : f32 to vector<16xf32>
        %min3A_1258 = arith.minimumf %abs3A_1255, %min3A_1257 : vector<16xf32>
        %add3A_1259 = arith.addf %abs3A_1255, %abs3A_1255 : vector<16xf32>
        %sub3A_1260 = arith.subf %add3A_1259, %min3A_1258 : vector<16xf32>
        %mul3A_1261 = arith.mulf %min3A_1258, %sub3A_1260 : vector<16xf32>
        %add3A_1262 = arith.addf %mul3A_1177, %mul3A_1205 : vector<16xf32>
        %add3A_1263 = arith.addf %mul3A_1233, %mul3A_1261 : vector<16xf32>
        %add3A_1264 = arith.addf %add3A_1262, %add3A_1263 : vector<16xf32>
        %mul3A_1265 = arith.mulf %convert_element_type3A_1148, %add3A_1264 : vector<16xf32>
        %add3A_1266 = arith.addf %add3A_750, %mul3A_1265 : vector<16xf32>
        scf.yield %add3A_879, %add3A_1008, %add3A_1137, %add3A_1266, %add3A_1020, %add3A_1149 : vector<16xf32>, vector<16xf32>, vector<16xf32>, vector<16xf32>, vector<16xf32>, vector<16xf32>
      }
      %scan3A_230 = arith.constant 8 : i32
      scf.yield %scan3A_229#0, %scan3A_229#1, %scan3A_229#2, %scan3A_229#3, %scan3A_229#4, %scan3A_229#5 : vector<16xf32>, vector<16xf32>, vector<16xf32>, vector<16xf32>, vector<16xf32>, vector<16xf32>
    }
    %scan3A_147 = arith.constant 12 : i32
    %add3A_148 = arith.addf %scan3A_146#0, %scan3A_146#1 : vector<16xf32>
    %add3A_149 = arith.addf %scan3A_146#2, %scan3A_146#3 : vector<16xf32>
    %add3A_150 = arith.addf %add3A_148, %add3A_149 : vector<16xf32>
    %add3A_151 = arith.addf %scan3A_146#4, %scan3A_146#5 : vector<16xf32>
    %swap3A = arith.constant 0 : i32
    %swap3A_152 = arith.index_cast %swap3A : i32 to index
    %swap3A_153 = arith.constant 0 : index
    %swap3A_154 = tpu.vector_load %arg9[%swap3A_152, %swap3A_153] {strides = array<i32>} : memref<2x16xf32, #tpu.memory_space<vmem>>, vector<16xf32>,
    tpu.vector_store %arg9[%swap3A_152, %swap3A_153], %add3A_150 {strides = array<i32>} : memref<2x16xf32, #tpu.memory_space<vmem>>, vector<16xf32>,
    %swap3A_155 = arith.constant 1 : i32
    %swap3A_156 = arith.index_cast %swap3A_155 : i32 to index
    %swap3A_157 = arith.constant 0 : index
    %swap3A_158 = tpu.vector_load %arg9[%swap3A_156, %swap3A_157] {strides = array<i32>} : memref<2x16xf32, #tpu.memory_space<vmem>>, vector<16xf32>,
    tpu.vector_store %arg9[%swap3A_156, %swap3A_157], %add3A_151 {strides = array<i32>} : memref<2x16xf32, #tpu.memory_space<vmem>>, vector<16xf32>,
    "tpu.region"() ({
      %run_scoped3A = tpu.sem_alloc : memref<!tpu.dma_semaphore, #tpu.memory_space<semaphore_mem>>
      %dma_start3A_159 = arith.constant 0 : i32
      %dma_start3A_160 = arith.constant 0 : i32
      %dma_start3A_161 = tpu.memref_slice %arg5[%add3A, %dma_start3A_159, %dma_start3A_160] : memref<32x2x16xf32, #tpu.memory_space<hbm>> -> memref<1x2x16xf32, #tpu.memory_space<hbm>>
      %dma_start3A_162 = tpu.memref_squeeze %dma_start3A_161 : memref<1x2x16xf32, #tpu.memory_space<hbm>> -> memref<2x16xf32, #tpu.memory_space<hbm>>
      %dma_start3A_163 = arith.constant 0 : i32
      %dma_start3A_164 = arith.constant 0 : i32
      %dma_start3A_165 = tpu.memref_slice %arg5[%add3A, %dma_start3A_163, %dma_start3A_164] : memref<32x2x16xf32, #tpu.memory_space<hbm>> -> memref<1x2x16xf32, #tpu.memory_space<hbm>>
      %dma_start3A_166 = tpu.memref_squeeze %dma_start3A_165 : memref<1x2x16xf32, #tpu.memory_space<hbm>> -> memref<2x16xf32, #tpu.memory_space<hbm>>
      tpu.enqueue_dma source(%arg9 : memref<2x16xf32, #tpu.memory_space<vmem>>) target(%dma_start3A_166 : memref<2x16xf32, #tpu.memory_space<hbm>>) target_semaphore(%run_scoped3A : memref<!tpu.dma_semaphore, #tpu.memory_space<semaphore_mem>>)
      %dma_wait3A = arith.constant 0 : i32
      %dma_wait3A_167 = arith.constant 0 : i32
      %dma_wait3A_168 = tpu.memref_slice %arg5[%add3A, %dma_wait3A, %dma_wait3A_167] : memref<32x2x16xf32, #tpu.memory_space<hbm>> -> memref<1x2x16xf32, #tpu.memory_space<hbm>>
      %dma_wait3A_169 = tpu.memref_squeeze %dma_wait3A_168 : memref<1x2x16xf32, #tpu.memory_space<hbm>> -> memref<2x16xf32, #tpu.memory_space<hbm>>
      %dma_wait3A_170 = arith.constant 0 : i32
      %dma_wait3A_171 = arith.constant 0 : i32
      %dma_wait3A_172 = tpu.memref_slice %arg5[%add3A, %dma_wait3A_170, %dma_wait3A_171] : memref<32x2x16xf32, #tpu.memory_space<hbm>> -> memref<1x2x16xf32, #tpu.memory_space<hbm>>
      %dma_wait3A_173 = tpu.memref_squeeze %dma_wait3A_172 : memref<1x2x16xf32, #tpu.memory_space<hbm>> -> memref<2x16xf32, #tpu.memory_space<hbm>>
      tpu.wait_dma2 semaphore(%run_scoped3A : memref<!tpu.dma_semaphore, #tpu.memory_space<semaphore_mem>>) src(%arg9 : memref<2x16xf32, #tpu.memory_space<vmem>>) dst(%dma_wait3A_173 : memref<2x16xf32, #tpu.memory_space<hbm>>)
      tpu.yield
    }) : () -> ()
    return
  }
}

</mosaic_0001>

<sc_bundles>
// kernel: _sc_loss.3.cloned.1.call-start
scs
__scs_entry_jumppad:
0x0: {  	(pc) =	sbr.rel $0x88, $3  }
0x1: {  	(tag) =	ssettag $0x0;
	lr =	simm.s32 $0x1  }
0x2: {  	[smem:$0x3F9E] =	sst lr;
	_ =	strace $0xD0000000  }
0x3: {  	_ = 	snop  }
0x4: {  	_ = 	snop  }
0x5: {  	_ = 	snop  }
0x6: {  	_ = 	snop  }
0x7: {  	_ = 	snop  }
__scs_overlays_trampoline_lowered:
0x8: {  	[smem:$0x3FAD] =	sst s0  }
0x9: {  	[smem:$0x3FAE] =	sst s1  }
0xa: {  	[smem:$0x3FAF] =	sst s2  }
0xb: {  	[smem:$0x3FB0] =	sst s3  }
0xc: {  	[smem:$0x3FB1] =	sst s4  }
0xd: {  	[smem:$0x3FB2] =	sst s5  }
0xe: {  	[smem:$0x3FB3] =	sst s6  }
0xf: {  	[smem:$0x3FB4] =	sst s7  }
0x10: {  	[smem:$0x3FB5] =	sst s8  }
0x11: {  	[smem:$0x3FB6] =	sst s9;
	s0 =	simm.s32 @!p0 $0x0  }
0x12: {  	s1 =	sld [smem:$0x3F9C];
	s0 =	simm.s32 @p0 $0x1  }
0x13: {  	[smem:$0x3FB7] =	sst s0;
	s0 =	simm.s32 @!p1 $0x0  }
0x14: {  	s2 =	sld [smem:$0x3F9B];
	s0 =	simm.s32 @p1 $0x1  }
0x15: {  	[smem:$0x3FB8] =	sst s0;
	s0 =	simm.s32 @!p2 $0x0  }
0x16: {  	s3 =	sld [smem:$0x3FDB];
	s0 =	simm.s32 @p2 $0x1  }
0x17: {  	s4 =	simm.s32 $0x1BF5;
	[smem:$0x3FBA] =	sst s0  }
0x18: {  	s0 =	sld [smem:$0x3F9D];
	_ =	swait.ge [sflag:s4], $0x0  }
0x19: {  	s7 =	sld [smem:$0x3F9E]  }
0x1a: {  	s8 =	sadd.s32 $0xFFFFE003, lr  }
0x1b: {  	s9 =	sadd.s32 $0xFFFFFEF7, lr;
	s5 =	simm.s32 $0xFFFFFFFF;
	p2 =	slt.u32 s8, $0xFFFFF086  }
0x1c: {  	p1 =	slt.u32 s9, $0xF7A;
	s5 =	simm.s32 @!p2 $0x0  }
0x1d: {  	s5 =	simm.s32 @p1 $0x1;
	p0 =	seq.s32 s7, s2  }
0x1e: {  	s7 =	smul.u32 @!p0 $0xF7A, s2;
	p2 =	seq.s32 @!p0 s5, $0x0  }
0x1f: {  	s9 =	smul.u32 $0xF7A, s1;
	s8 =	simm.s32 @!p0 $0x1BF5;
	p2 =	por !p2, p0  }
0x20: {  	[sflag:s8] =	ssyncset.s32 @!p0 $0xFFFFF086;
	s6 =	sadd.s32 @!p0 s3, s7;
	s7 =	simm.s32 @!p0 $0x108  }
0x21: {  	s3 =	sadd.s32 s3, s9;
	s6 =	sadd.s32 @!p0 $0x88, s6;
	s7 =	simm.s32 @p2 $0x1082  }
0x22: {  	[simem:s7], [sflag:s8] =	dma.local @!p0 [hbm:s6], $0xF7A  }
0x23: {  	s9 =	sor.u32 $0xD0000000, s2;
	s6 =	simm.s32 $0x108;
	_ =	swait.ge @!p0 [sflag:s8], $0x0  }
0x24: {  	s3 =	sadd.s32 $0x88, s3;
	s6 =	simm.s32 @!p1 $0x1082;
	[sflag:s4] =	ssyncset.s32 $0xFFFFF086  }
0x25: {  	[simem:s6], [sflag:s4] =	dma.local [hbm:s3], $0xF7A  }
0x26: {  	[smem:$0x3F9E] =	sst s1;
	(tag) =	ssettag s2;
	_ =	strace s9  }
0x27: {  	s1 =	sld [smem:$0x3FAE]  }
0x28: {  	s2 =	sld [smem:$0x3FAF]  }
0x29: {  	s4 =	sld [smem:$0x3FB1]  }
0x2a: {  	p0 =	seq.s32 s5, $0x0;
	s5 =	sld [smem:$0x3FB2]  }
0x2b: {  	s6 =	sld [smem:$0x3FB3]  }
0x2c: {  	s7 =	sld [smem:$0x3FB4]  }
0x2d: {  	s3 =	simm.s32 $0x108;
	s8 =	sld [smem:$0x3FB5]  }
0x2e: {  	s3 =	simm.s32 @!p0 $0x1082;
	s9 =	sld [smem:$0x3FB6]  }
0x2f: {  	lr =	sadd.s32 s0, s3;
	s0 =	sld [smem:$0x3FAD]  }
0x30: {  	s3 =	sld [smem:$0x3FB0]  }
0x31: {  	[smem:$0x3FB9] =	sst s10  }
0x32: {  	s10 =	sld [smem:$0x3FB7];
	_ =	sdelay $0x3  }
0x33: {  	p0 =	seq.s32 s10, $0x1;
	s10 =	sld [smem:$0x3FB9];
	_ =	sdelay $0x3  }
0x34: {  	[smem:$0x3FB9] =	sst s10  }
0x35: {  	s10 =	sld [smem:$0x3FB8];
	_ =	sdelay $0x3  }
0x36: {  	p1 =	seq.s32 s10, $0x1;
	s10 =	sld [smem:$0x3FB9];
	_ =	sdelay $0x3  }
0x37: {  	[smem:$0x3FB9] =	sst s10  }
0x38: {  	s10 =	sld [smem:$0x3FBA]  }
0x39: {  	_ = 	snop;
	(pc) =	sbr.ind lr, $3  }
0x3a: {  	_ = 	snop  }
0x3b: {  	_ = 	snop  }
0x3c: {  	p2 =	seq.s32 s10, $0x1;
	s10 =	sld [smem:$0x3FB9]  }
0x3d: {  	_ =	shalt  }
0x3e: {  	_ =	shalt  }
0x3f: {  	_ =	shalt  }
0x40: {  	_ =	shalt  }
0x41: {  	_ =	shalt  }
0x42: {  	_ =	shalt  }
0x43: {  	_ =	shalt  }
0x44: {  	_ =	shalt  }
0x45: {  	_ =	shalt  }
0x46: {  	_ =	shalt  }
0x47: {  	_ =	shalt  }
0x48: {  	_ =	shalt  }
0x49: {  	_ =	shalt  }
0x4a: {  	_ =	shalt  }
0x4b: {  	_ =	shalt  }
0x4c: {  	_ =	shalt  }
0x4d: {  	_ =	shalt  }
0x4e: {  	_ =	shalt  }
0x4f: {  	_ =	shalt  }
0x50: {  	_ =	shalt  }
0x51: {  	_ =	shalt  }
0x52: {  	_ =	shalt  }
0x53: {  	_ =	shalt  }
0x54: {  	_ =	shalt  }
0x55: {  	_ =	shalt  }
0x56: {  	_ =	shalt  }
0x57: {  	_ =	shalt  }
0x58: {  	_ =	shalt  }
0x59: {  	_ =	shalt  }
0x5a: {  	_ =	shalt  }
0x5b: {  	_ =	shalt  }
0x5c: {  	_ =	shalt  }
0x5d: {  	_ =	shalt  }
0x5e: {  	_ =	shalt  }
0x5f: {  	_ =	shalt  }
0x60: {  	_ =	shalt  }
0x61: {  	_ =	shalt  }
0x62: {  	_ =	shalt  }
0x63: {  	_ =	shalt  }
0x64: {  	_ =	shalt  }
0x65: {  	_ =	shalt  }
0x66: {  	_ =	shalt  }
0x67: {  	_ =	shalt  }
0x68: {  	_ =	shalt  }
0x69: {  	_ =	shalt  }
0x6a: {  	_ =	shalt  }
0x6b: {  	_ =	shalt  }
0x6c: {  	_ =	shalt  }
0x6d: {  	_ =	shalt  }
0x6e: {  	_ =	shalt  }
0x6f: {  	_ =	shalt  }
0x70: {  	_ =	shalt  }
0x71: {  	_ =	shalt  }
0x72: {  	_ =	shalt  }
0x73: {  	_ =	shalt  }
0x74: {  	_ =	shalt  }
0x75: {  	_ =	shalt  }
0x76: {  	_ =	shalt  }
0x77: {  	_ =	shalt  }
0x78: {  	_ =	shalt  }
0x79: {  	_ =	shalt  }
0x7a: {  	_ =	shalt  }
0x7b: {  	_ =	shalt  }
0x7c: {  	_ =	shalt  }
0x7d: {  	_ =	shalt  }
0x7e: {  	_ =	shalt  }
0x7f: {  	_ =	shalt  }
0x80: {  	_ =	shalt  }
0x81: {  	_ =	shalt  }
0x82: {  	_ =	shalt  }
0x83: {  	_ =	shalt  }
0x84: {  	_ =	shalt  }
0x85: {  	_ =	shalt  }
0x86: {  	_ =	shalt  }
0x87: {  	_ =	shalt  }
.Lfunc_end0:
.L_simem_size_0:
called_computation_lowered:
.L_overlay_start_0:
0x88: {  	s2 =	sld [smem:$0x3FD9]  }
0x89: {  	s3 =	sld [smem:$0x3FFE];
	_ =	sdelay $0x1  }
0x8a: {  	s1 =	srdreg.scid  }
0x8b: {  	s0 =	sand.u32 $0x1, s1  }
0x8c: {  	s17 =	sshll.u32 s0, $0xA;
	s2 =	sadd.s32 s3, s2  }
0x8d: {  	s2 =	sadd.s32 s2, s17  }
0x8e: {  	[smem:$0x3FC5] =	sst s2  }
0x8f: {  	_ = 	snop  }
0x90: {  	s2 =	sld [smem:$0x3FC9]  }
0x91: {  	s18 =	sld [smem:$0x3FC8]  }
0x92: {  	s4 =	sld [smem:$0x3FC7];
	(tm) =	ssettm $0x1  }
0x93: {  	s5 =	sld [smem:$0x3FFB];
	_ =	sdelay $0x3  }
0x94: {  	_ =	strace s5  }
0x95: {  	s5 =	sld [smem:$0x3FFC];
	_ =	sdelay $0x3  }
0x96: {  	_ =	strace s5  }
0x97: {  	s5 =	sld [smem:$0x3FFD];
	_ =	sdelay $0x3  }
0x98: {  	_ =	strace s5  }
0x99: {  	_ =	strace $0x8FFFFFFF  }
0x9a: {  	s19 =	sld [smem:$0x3FDB];
	_ =	sdelay $0x1  }
0x9b: {  	s6 =	simm.s32 $_scs_section_size  }
0x9c: {  	s7 =	simm.s32 $_size__tile_overlayer_lowered;
	s8 =	simm.s32 $_tile_overlayer_lowered  }
0x9d: {  	s22 =	simm.s32 $0x1BFF;
	s21 =	sshll.u32 s8, $0x1;
	s5 =	sadd.s32 s6, s19  }
0x9e: {  	s9 =	simm.s32 $0x0;
	s20 =	sshll.u32 s7, $0x1;
	s7 =	sadd.s32 s21, s5  }
0x9f: {  	[timem:s9], [sflag:s22] =	dma.local [hbm:s7], s20  }
0xa0: {  	_ =	swait.ge [sflag:s22], s20  }
0xa1: {  	s6 =	ssub.s32 $0x0, s20;
	[sflag:s22] =	ssyncset.done $0x0  }
0xa2: {  	[sflag:s22] =	ssyncadd.s32 s6;
	_ =	sdelay $0x1  }
0xa3: {  	s23 =	simm.s32 $0x1B8B  }
0xa4: {  	_ =	swait.ge [sflag:s23], $0x1  }
0xa5: {  	[sflag:s23] =	ssyncset.done $0x0  }
0xa6: {  	s25 =	simm.s32 $0x1B8E;
	s24 =	sld [smem:$0x3FFE];
	[sflag:s23] =	ssyncadd.s32 $0xFFFFFFFF  }
0xa7: {  	s26 =	simm.s32 $execute0_lowered;
	[smem:$0x3FD2] =	sst s25  }
0xa8: {  	s7 =	sshll.u32 s26, $0x1;
	_ =	strace $0x80000046;
	[dreg:$0x1] =	wrdreg $0xFFFFFFFF  }
0xa9: {  	s28 =	simm.s32 $_size_execute0_lowered;
	s5 =	sadd.s32 s5, s7;
	[dreg:$0x0] =	wrdreg $0x0  }
0xaa: {  	s7 =	sshll.u32 s28, $0x1;
	[dreg:$0x2] =	wrdreg s5  }
0xab: {  	[dreg:$0x3] =	wrdreg s7  }
0xac: {  	[dreg:$0x4] =	wrdreg $0xC0  }
0xad: {  	_ =	task [dreg:s9], $0x5FFFF  }
0xae: {  	[dreg:$0x1] =	wrdreg $0xFFFFFFFF  }
0xaf: {  	[dreg:$0x0] =	wrdreg $0x60  }
0xb0: {  	[dreg:$0x2] =	wrdreg s2  }
0xb1: {  	[dreg:$0x3] =	wrdreg s18  }
0xb2: {  	[dreg:$0x4] =	wrdreg s4  }
0xb3: {  	[dreg:$0x5] =	wrdreg s24  }
0xb4: {  	[dreg:$0x6] =	wrdreg $0x9  }
0xb5: {  	_ =	task.clear_ibuf [dreg:s9], $0x7FFFF;
	_ =	strace $0x90000046  }
0xb6: {  	s29 =	simm.s32 $0x9;
	_ =	strace $0x80000048  }
0xb7: {  	_ =	swait.ge [sflag:s29], $0x1  }
0xb8: {  	[sflag:s29] =	ssyncadd.s32 $0xFFFFFFFF  }
0xb9: {  	_ =	strace $0x90000048  }
0xba: {  	_ =	sfence  }
0xbb: {  	s30 =	sld [smem:$0x0];
	_ =	sdelay $0x2  }
0xbc: {  	s31 =	sshll.u32 s1, $0xD;
	s1 =	sshrl.u32 s1, $0x2  }
0xbd: {  	s3 =	sand.u32 $0x4000, s31;
	s1 =	sadd.s32 s1, s30  }
0xbe: {  	s0 =	sor.u32 s3, s0;
	s1 =	sshll.u32 s1, $0x11  }
0xbf: {  	s0 =	sor.u32 s1, s0  }
0xc0: {  	s0 =	sadd.s32 $0x8F2B, s0  }
0xc1: {  	[sflag:s0] =	ssyncadd.remote.s32 $0x1  }
0xc2: {  	_ =	sfence.sel $0xFFFF  }
0xc3: {  	[dreg:$0x0] =	wrdreg $0xFFFFFFFF;
	(pc) =	sbr.abs _section_cstart, $3  }
0xc4: {  	[dreg:$0x1] =	wrdreg $0xFFFFFFFF  }
0xc5: {  	_ =	task.clear_ibuf [dreg:s9], $0x2FFFF;
	_ =	strace $0x9FFFFFFF  }
0xc6: {  	(tm) =	ssettm $0x7FFFFFFF  }
0xc7: {  	_ =	shalt  }
tec
execute0_lowered:
.L_overlay_start_1:
0x0: {  	(tag) =	ssettag $0x1  }
0x1: {  	s1 =	rddreg [dreg:$0x0]  }
0x2: {  	s2 =	rddreg [dreg:$0x1]  }
0x3: {  	s4 =	rddreg [dreg:$0x2];
	s0 =	srdreg.scid  }
0x4: {  	s6 =	stileid.u32;
	s3 =	rddreg [dreg:$0x3]  }
0x5: {  	s17 =	simm.s32 $0x80;
	s18 =	simm.s32 $0x400;
	s19 =	simm.s32 $0x1000  }
0x6: {  	s20 =	simm.s32 $0x4000;
	s21 =	simm.s32 $0x6400;
	s22 =	simm.s32 $0x3000  }
0x7: {  	s23 =	simm.s32 $0x6000;
	s28 =	simm.s32 $0x5000;
	s29 =	simm.s32 $0x6800  }
0x8: {  	s30 =	simm.s32 $0x0;
	s0 =	sand.u32 $0x1, s0;
	s5 =	sshll.u32 s6, $0x1  }
0x9: {  	s8 =	sshrl.u32 s6, $0x1;
	s7 =	sor.u32 s0, s5;
	s5 =	simm.s32 $0x0  }
0xa: {  	s6 =	smul.u32 $0x30000, s8;
	s0 =	ssub.s32 $0x2, s0;
	s9 =	sand.u32 $0x3, s7  }
0xb: {  	[smem:$0x7FF] =	sst s5;
	s7 =	sshll.u32 s7, $0x5;
	s10 =	smul.u32 $0xC000, s9  }
0xc: {  	s11 =	sshrl.u32 s0, $0x1;
	_ =	strace $0x80000047;
	s3 =	sadd.s32 s7, s3  }
0xd: {  	s7 =	smul.u32 $0x60, s9;
	s0 =	ssub.s32 s0, s11;
	s10 =	sadd.s32 s6, s10  }
0xe: {  	s9 =	smul.u32 $0x18000, s9;
	s15 =	sadd.s32 $0x400, s3;
	s10 =	sshrl.u32 s10, $0x3  }
0xf: {  	s16 =	smax.u32 s0, $0x1;
	s25 =	sor.u32 $0x8, s7;
	s24 =	sadd.s32 s1, s10  }
0x10: {  	s26 =	sshll.u32 s25, $0x9;
	s10 =	sadd.s32 s2, s10;
	[dreg:$0x5] =	wrdreg s24  }
0x11: {  	s11 =	sadd.s32 s6, s26;
	s26 =	simm.s32 $0x2000;
	[dreg:$0x6] =	wrdreg s10  }
.Ltmp0:
0x12: {  	s10 =	sshll.u32 s8, $0x7;
	s8 =	sshll.u32 s25, $0xA;
	(pc) =	sbr.rel .LBB2_1-.Ltmp0, $4  }
0x13: {  	s31 =	sshrl.u32 s11, $0x3;
	s25 =	simm.s32 $0x4;
	s9 =	sor.u32 s10, s9  }
0x14: {  	s8 =	sor.u32 s10, s8;
	s11 =	sadd.s32 s1, s31;
	s9 =	sshrl.u32 s9, $0x3  }
0x15: {  	s8 =	sshrl.u32 s8, $0x3;
	[dreg:$0x8] =	wrdreg s11;
	s9 =	sadd.s32 s4, s9  }
0x16: {  	s13 =	sadd.s32 s2, s31;
	s14 =	sadd.s32 s4, s8;
	[dreg:$0x7] =	wrdreg s9  }
.LBB2_14:
0x17: {  	v0 =	vadd.f32 v6, v10;
	v1 =	vadd.f32 v2, v3  }
0x18: {  	v63 =	vadd.f32 v4, v5  }
0x19: {  	s30 =	sadd.s32 $0x1, s30;
	v0 =	vadd.f32 v1, v0  }
0x1a: {  	p0 =	sne.s32 s30, s16;
	[tilespmem:$0x6C80] =	vst v63  }
.Ltmp1:
0x1b: {  	s0 =	simm.s32 $0x6C00;
	[tilespmem:$0x6C00] =	vst v0;
	(pc) =	sbr.rel @!p0 .LBB2_15-.Ltmp1, $4  }
0x1c: {  	[hbm4b:s15+s5] =	stream.linear.scatter [tilespmem:s0], [sflag:$0x4], $0x100, $0x38;
	[tilespmem:$0x6D00] =	vst v63  }
0x1d: {  	_ =	swait.ge [sflag:s25], $0x100  }
0x1e: {  	[sflag:s25] =	ssyncset.done $0x0  }
0x1f: {  	[sflag:s25] =	ssyncadd.s32 $0xFFFFFF00  }
.LBB2_1:
0x20: {  	s0 =	rddreg [dreg:$0x5]  }
0x21: {  	[tilespmem:s5], [sflag:$0x1] =	stream.linear.gather [hbm4b:s0+s5], $0x1000, $0x38;
	[tilespmem:$0x6D00] =	vst v63  }
0x22: {  	s11 =	rddreg [dreg:$0x6]  }
0x23: {  	[tilespmem:s22], [sflag:$0x1] =	stream.linear.gather [hbm4b:s11+s5], $0x1000, $0x38;
	[tilespmem:$0x6D00] =	vst v63  }
0x24: {  	s12 =	rddreg [dreg:$0x7]  }
0x25: {  	[tilespmem:s23], [sflag:$0x1] =	stream.strided.gather [hbm4b:s12+s17], $0x400, s18, s17, $0x38;
	[tilespmem:$0x6D00] =	vst v63  }
0x26: {  	s24 =	rddreg [dreg:$0x8]  }
0x27: {  	[tilespmem:s19], [sflag:$0x2] =	stream.linear.gather [hbm4b:s24+s5], $0x1000, $0x38;
	[tilespmem:$0x6D00] =	vst v63  }
0x28: {  	s31 =	simm.s32 $0x3000  }
0x29: {  	[tilespmem:s20], [sflag:$0x2] =	stream.linear.gather [hbm4b:s13+s5], $0x1000, $0x38;
	[tilespmem:$0x6D00] =	vst v63  }
0x2a: {  	v4 =	vimm.f32 $0.0e+00;
	v5 =	vimm.f32 $0.0e+00;
	v2 =	vimm.f32 $0.0e+00;
	s3 =	simm.s32 $0x0;
	s0 =	simm.s32 $0x6000;
	s24 =	simm.s32 $0x0  }
0x2b: {  	v3 =	vimm.f32 $0.0e+00;
	v6 =	vimm.f32 $0.0e+00;
	v10 =	vimm.f32 $0.0e+00;
	[tilespmem:s21], [sflag:$0x2] =	stream.strided.gather [hbm4b:s14+s17], $0x400, s18, s17, $0x38;
	[tilespmem:$0x6D00] =	vst v63  }
.LBB2_2:
0x2c: {  	s8 =	smul.u32 $0xAB, s24;
	_ =	sdelay $0x1  }
0x2d: {  	s8 =	sshrl.u32 s8, $0x9  }
0x2e: {  	s8 =	sand.u32 $0x7F, s8  }
0x2f: {  	s8 =	smul.u32 $0x3, s8;
	_ =	sdelay $0x1  }
0x30: {  	p0 =	sgt.u32 s24, $0x9;
	s8 =	ssub.s32 s24, s8  }
0x31: {  	s11 =	sand.u32 @!p0 $0xFF, s8  }
0x32: {  	p1 =	sne.s32 @!p0 s11, $0x1  }
0x33: {  	p1 =	por p0, p1  }
.Ltmp2:
0x34: {  	_ = 	snop;
	(pc) =	sbr.rel @p1 .LBB2_4-.Ltmp2, $4  }
0x35: {  	_ = 	snop  }
0x36: {  	[tilespmem:$0x1FFD0] =	vst v4  }
0x37: {  	[tilespmem:$0x1FFE0] =	vst v5  }
0x38: {  	s9 =	sadd.s32 $0x2, s24;
	[tilespmem:$0x1FFF0] =	vst v3  }
0x39: {  	s8 =	sshll.u32 s9, $0x3  }
0x3a: {  	s8 =	sadd.s32 s7, s8  }
0x3b: {  	s12 =	sshll.u32 s8, $0x9  }
0x3c: {  	s9 =	sadd.s32 s6, s12  }
0x3d: {  	s9 =	sshrl.u32 s9, $0x3  }
0x3e: {  	s8 =	sshll.u32 s8, $0xA;
	s11 =	sadd.s32 s1, s9  }
0x3f: {  	[tilespmem:s5], [sflag:$0x1] =	stream.linear.gather [hbm4b:s11+s5], $0x1000, $0x38;
	[tilespmem:$0x6D00] =	vst v63  }
.Ltmp3:
0x40: {  	s8 =	sor.u32 s10, s8;
	(pc) =	sbr.rel .LBB2_11-.Ltmp3, $4  }
0x41: {  	s8 =	sshrl.u32 s8, $0x3;
	s9 =	sadd.s32 s2, s9  }
0x42: {  	[tilespmem:s22], [sflag:$0x1] =	stream.linear.gather [hbm4b:s9+s5], $0x1000, $0x38;
	[tilespmem:$0x6D00] =	vst v63  }
0x43: {  	s8 =	sadd.s32 s4, s8;
	s9 =	simm.s32 $0x2  }
0x44: {  	v1 =	vmov v10;
	v4 =	vmov v6;
	v3 =	vmov v2;
	[tilespmem:s23], [sflag:$0x1] =	stream.strided.gather [hbm4b:s8+s17], $0x400, s18, s17, $0x38;
	[tilespmem:$0x6D00] =	vst v63  }
.LBB2_4:
0x45: {  	p1 =	sne.s32 @!p0 s11, $0x2  }
0x46: {  	p1 =	por p0, p1  }
.Ltmp4:
0x47: {  	_ = 	snop;
	(pc) =	sbr.rel @p1 .LBB2_7-.Ltmp4, $1  }
0x48: {  	_ =	sdelay $0x3  }
0x49: {  	s8 =	sshll.u32 s9, $0x3  }
0x4a: {  	s8 =	sadd.s32 s7, s8  }
0x4b: {  	s12 =	sshll.u32 s8, $0x9  }
0x4c: {  	s9 =	sadd.s32 s6, s12  }
0x4d: {  	s8 =	sshll.u32 s8, $0xA;
	s9 =	sshrl.u32 s9, $0x3  }
0x4e: {  	s8 =	sor.u32 s10, s8;
	s11 =	sadd.s32 s1, s9  }
0x4f: {  	[tilespmem:s19], [sflag:$0x2] =	stream.linear.gather [hbm4b:s11+s5], $0x1000, $0x38;
	[tilespmem:$0x6D00] =	vst v63  }
0x50: {  	s8 =	sshrl.u32 s8, $0x3;
	s9 =	sadd.s32 s2, s9  }
0x51: {  	[tilespmem:s20], [sflag:$0x2] =	stream.linear.gather [hbm4b:s9+s5], $0x1000, $0x38;
	[tilespmem:$0x6D00] =	vst v63  }
0x52: {  	s8 =	sadd.s32 s4, s8  }
0x53: {  	v3 =	vmov v2;
	[tilespmem:s21], [sflag:$0x2] =	stream.strided.gather [hbm4b:s8+s17], $0x400, s18, s17, $0x38;
	[tilespmem:$0x6D00] =	vst v63  }
.LBB2_6:
.Ltmp5:
0x54: {  	(pc) =	sbr.rel .LBB2_11-.Ltmp5, $2  }
0x55: {  	_ =	sdelay $0x2  }
0x56: {  	v1 =	vmov v10;
	v4 =	vmov v6;
	s9 =	simm.s32 $0x3  }
.LBB2_7:
0x57: {  	p1 =	sne.s32 @!p0 s11, $0x0  }
0x58: {  	p0 =	por p0, p1  }
.Ltmp6:
0x59: {  	_ = 	snop;
	(pc) =	sbr.rel @p0 .LBB2_9-.Ltmp6, $1  }
0x5a: {  	_ =	sdelay $0x3  }
0x5b: {  	s8 =	sshll.u32 s9, $0x3  }
0x5c: {  	s8 =	sadd.s32 s7, s8  }
0x5d: {  	s12 =	sshll.u32 s8, $0x9  }
0x5e: {  	s9 =	sadd.s32 s6, s12  }
0x5f: {  	s8 =	sshll.u32 s8, $0xA;
	s9 =	sshrl.u32 s9, $0x3  }
0x60: {  	s8 =	sor.u32 s10, s8;
	s11 =	sadd.s32 s1, s9  }
0x61: {  	[tilespmem:s26], [sflag:$0x3] =	stream.linear.gather [hbm4b:s11+s5], $0x1000, $0x38;
	[tilespmem:$0x6D00] =	vst v63  }
0x62: {  	s8 =	sshrl.u32 s8, $0x3;
	s9 =	sadd.s32 s2, s9  }
0x63: {  	[tilespmem:s28], [sflag:$0x3] =	stream.linear.gather [hbm4b:s9+s5], $0x1000, $0x38;
	[tilespmem:$0x6D00] =	vst v63  }
0x64: {  	s8 =	sadd.s32 s4, s8;
	s9 =	simm.s32 $0x1  }
0x65: {  	v1 =	vmov v10;
	v4 =	vmov v6;
	v3 =	vmov v2;
	[tilespmem:s29], [sflag:$0x3] =	stream.strided.gather [hbm4b:s8+s17], $0x400, s18, s17, $0x38;
	[tilespmem:$0x6D00] =	vst v63  }
.LBB2_11:
0x66: {  	_ =	swait.ge [sflag:s9], $0x1000  }
0x67: {  	s8 =	smulhi.u32 $0xAAAAAAAB, s24;
	[sflag:s9] =	ssyncset.done $0x0  }
0x68: {  	[sflag:s9] =	ssyncadd.s32 $0xFFFFF000  }
0x69: {  	s8 =	sshrl.u32 s8, $0x1;
	_ =	swait.ge [sflag:s9], $0x1000  }
0x6a: {  	s11 =	smul.u32 $0xFFFF4000, s8;
	[sflag:s9] =	ssyncset.done $0x0  }
0x6b: {  	s8 =	smul.u32 $0xFFFFD000, s8;
	[sflag:s9] =	ssyncadd.s32 $0xFFFFF000  }
0x6c: {  	s11 =	sshra.s32 s11, $0x2;
	_ =	swait.ge [sflag:s9], $0x400  }
0x6d: {  	s8 =	sshra.s32 s8, $0x2;
	s12 =	sadd.s32 s11, s3;
	[sflag:s9] =	ssyncset.done $0x0  }
0x6e: {  	s8 =	sadd.s32 s8, s0;
	s11 =	sadd.s32 s11, s31;
	v6 =	vmov s12;
	[sflag:s9] =	ssyncadd.s32 $0xFFFFFC00  }
0x6f: {  	v7 =	vmov s11;
	v8 =	vld [tilespmem:s8+$0x40]  }
0x70: {  	v9 =	vld [tilespmem:s8+$0x50]  }
0x71: {  	v11 =	vld [tilespmem:s8+$0x60]  }
0x72: {  	s12 =	simm.s32 $0x0;
	v12 =	vld [tilespmem:s8+$0x70]  }
0x73: {  	v10 =	vld.idx.msk [tilespmem:v6+s12+$0x40 ss:$0x1], $0xffff  }
0x74: {  	v13 =	vld.idx.msk [tilespmem:v7+s12+$0x40 ss:$0x1], $0xffff  }
0x75: {  	v14 =	vld.idx.msk [tilespmem:v6+s12+$0xC0 ss:$0x1], $0xffff  }
0x76: {  	v15 =	vld.idx.msk [tilespmem:v7+s12+$0xC0 ss:$0x1], $0xffff  }
0x77: {  	v16 =	vld.idx.msk [tilespmem:v6+s12+$0x140 ss:$0x1], $0xffff  }
0x78: {  	v17 =	vld.idx.msk [tilespmem:v7+s12+$0x140 ss:$0x1], $0xffff  }
0x79: {  	v18 =	vld.idx.msk [tilespmem:v6+s12+$0x1C0 ss:$0x1], $0xffff  }
0x7a: {  	v19 =	vld.idx.msk [tilespmem:v7+s12+$0x1C0 ss:$0x1], $0xffff  }
0x7b: {  	v20 =	vld.idx.msk [tilespmem:v6+s12+$0x50 ss:$0x1], $0xffff  }
0x7c: {  	v21 =	vld.idx.msk [tilespmem:v7+s12+$0x50 ss:$0x1], $0xffff  }
0x7d: {  	v22 =	vld.idx.msk [tilespmem:v6+s12+$0xD0 ss:$0x1], $0xffff  }
0x7e: {  	v23 =	vld.idx.msk [tilespmem:v7+s12+$0xD0 ss:$0x1], $0xffff  }
0x7f: {  	v24 =	vld.idx.msk [tilespmem:v6+s12+$0x150 ss:$0x1], $0xffff  }
0x80: {  	v25 =	vld.idx.msk [tilespmem:v7+s12+$0x150 ss:$0x1], $0xffff  }
0x81: {  	v26 =	vld.idx.msk [tilespmem:v6+s12+$0x1D0 ss:$0x1], $0xffff  }
0x82: {  	v27 =	vld.idx.msk [tilespmem:v7+s12+$0x1D0 ss:$0x1], $0xffff  }
0x83: {  	v28 =	vld.idx.msk [tilespmem:v6+s12+$0x60 ss:$0x1], $0xffff  }
0x84: {  	v29 =	vld.idx.msk [tilespmem:v7+s12+$0x60 ss:$0x1], $0xffff  }
0x85: {  	v30 =	vld.idx.msk [tilespmem:v6+s12+$0xE0 ss:$0x1], $0xffff  }
0x86: {  	v31 =	vld.idx.msk [tilespmem:v7+s12+$0xE0 ss:$0x1], $0xffff  }
0x87: {  	v32 =	vld.idx.msk [tilespmem:v6+s12+$0x160 ss:$0x1], $0xffff  }
0x88: {  	v33 =	vld.idx.msk [tilespmem:v7+s12+$0x160 ss:$0x1], $0xffff  }
0x89: {  	v34 =	vld.idx.msk [tilespmem:v6+s12+$0x1E0 ss:$0x1], $0xffff  }
0x8a: {  	v35 =	vld.idx.msk [tilespmem:v7+s12+$0x1E0 ss:$0x1], $0xffff  }
0x8b: {  	v36 =	vld.idx.msk [tilespmem:v6+s12+$0x70 ss:$0x1], $0xffff  }
0x8c: {  	v37 =	vld.idx.msk [tilespmem:v7+s12+$0x70 ss:$0x1], $0xffff  }
0x8d: {  	v38 =	vld.idx.msk [tilespmem:v6+s12+$0xF0 ss:$0x1], $0xffff  }
0x8e: {  	v39 =	vld.idx.msk [tilespmem:v7+s12+$0xF0 ss:$0x1], $0xffff  }
0x8f: {  	v40 =	vld.idx.msk [tilespmem:v6+s12+$0x170 ss:$0x1], $0xffff  }
0x90: {  	v41 =	vld.idx.msk [tilespmem:v7+s12+$0x170 ss:$0x1], $0xffff  }
0x91: {  	v42 =	vld.idx.msk [tilespmem:v6+s12+$0x1F0 ss:$0x1], $0xffff  }
0x92: {  	v43 =	vld.idx.msk [tilespmem:v7+s12+$0x1F0 ss:$0x1], $0xffff  }
0x93: {  	v44 =	vld.idx.msk [tilespmem:v6+s12+$0x0 ss:$0x1], $0xffff  }
0x94: {  	v45 =	vld.idx.msk [tilespmem:v7+s12+$0x0 ss:$0x1], $0xffff  }
0x95: {  	v46 =	vld.idx.msk [tilespmem:v6+s12+$0x80 ss:$0x1], $0xffff  }
0x96: {  	v47 =	vld.idx.msk [tilespmem:v7+s12+$0x80 ss:$0x1], $0xffff  }
0x97: {  	v48 =	vld.idx.msk [tilespmem:v6+s12+$0x100 ss:$0x1], $0xffff  }
0x98: {  	v49 =	vld.idx.msk [tilespmem:v7+s12+$0x100 ss:$0x1], $0xffff  }
0x99: {  	v50 =	vld.idx.msk [tilespmem:v6+s12+$0x180 ss:$0x1], $0xffff  }
0x9a: {  	v51 =	vld.idx.msk [tilespmem:v7+s12+$0x180 ss:$0x1], $0xffff  }
0x9b: {  	v52 =	vld.idx.msk [tilespmem:v6+s12+$0x10 ss:$0x1], $0xffff  }
0x9c: {  	v53 =	vld.idx.msk [tilespmem:v7+s12+$0x10 ss:$0x1], $0xffff  }
0x9d: {  	v54 =	vld.idx.msk [tilespmem:v6+s12+$0x90 ss:$0x1], $0xffff  }
0x9e: {  	v55 =	vld.idx.msk [tilespmem:v7+s12+$0x90 ss:$0x1], $0xffff  }
0x9f: {  	v56 =	vld.idx.msk [tilespmem:v6+s12+$0x110 ss:$0x1], $0xffff  }
0xa0: {  	v57 =	vld.idx.msk [tilespmem:v7+s12+$0x110 ss:$0x1], $0xffff;
	v13 =	vsub.f32 v10, v13;
	v14 =	vsub.f32 v14, v15  }
0xa1: {  	v58 =	vld.idx.msk [tilespmem:v6+s12+$0x190 ss:$0x1], $0xffff;
	v15 =	vsub.f32 v16, v17;
	v17 =	vsub.f32 v18, v19  }
0xa2: {  	v59 =	vld.idx.msk [tilespmem:v7+s12+$0x190 ss:$0x1], $0xffff;
	v18 =	vsub.f32 v20, v21;
	v20 =	vsub.f32 v22, v23  }
0xa3: {  	v60 =	vld.idx.msk [tilespmem:v6+s12+$0x20 ss:$0x1], $0xffff;
	v21 =	vsub.f32 v24, v25;
	v23 =	vsub.f32 v26, v27  }
0xa4: {  	v61 =	vld.idx.msk [tilespmem:v7+s12+$0x20 ss:$0x1], $0xffff;
	v24 =	vsub.f32 v28, v29;
	v26 =	vsub.f32 v30, v31  }
0xa5: {  	v62 =	vld.idx.msk [tilespmem:v6+s12+$0xA0 ss:$0x1], $0xffff;
	v27 =	vsub.f32 v32, v33;
	v29 =	vsub.f32 v34, v35  }
0xa6: {  	v63 =	vld.idx.msk [tilespmem:v7+s12+$0xA0 ss:$0x1], $0xffff;
	v30 =	vsub.f32 v36, v37;
	v32 =	vsub.f32 v38, v39  }
0xa7: {  	v10 =	vld.idx.msk [tilespmem:v6+s12+$0x120 ss:$0x1], $0xffff;
	v34 =	vsub.f32 v40, v41;
	v36 =	vsub.f32 v44, v45  }
0xa8: {  	v16 =	vld.idx.msk [tilespmem:v7+s12+$0x120 ss:$0x1], $0xffff;
	v37 =	vsub.f32 v42, v43;
	v39 =	vsub.f32 v46, v47  }
0xa9: {  	v19 =	vld.idx.msk [tilespmem:v6+s12+$0x1A0 ss:$0x1], $0xffff;
	v40 =	vsub.f32 v48, v49;
	v42 =	vsub.f32 v50, v51  }
0xaa: {  	v22 =	vld.idx.msk [tilespmem:v7+s12+$0x1A0 ss:$0x1], $0xffff;
	v52 =	vsub.f32 v52, v53;
	v55 =	vsub.f32 v54, v55  }
0xab: {  	v25 =	vld.idx.msk [tilespmem:v6+s12+$0x30 ss:$0x1], $0xffff;
	v57 =	vsub.f32 v56, v57;
	v59 =	vsub.f32 v58, v59  }
0xac: {  	v0 =	vcvt.s32.f32 v8;
	v28 =	vld.idx.msk [tilespmem:v7+s12+$0x30 ss:$0x1], $0xffff;
	v60 =	vsub.f32 v60, v61;
	v61 =	vsub.f32 v62, v63  }
0xad: {  	v31 =	vld.idx.msk [tilespmem:v6+s12+$0xB0 ss:$0x1], $0xffff;
	v62 =	vcvt.s32.f32 v9;
	v63 =	vcvt.s32.f32 v11;
	v13 =	vand.u32 $0x7FFFFFFF, v13  }
0xae: {  	v33 =	vld.idx.msk [tilespmem:v7+s12+$0xB0 ss:$0x1], $0xffff;
	v14 =	vand.u32 $0x7FFFFFFF, v14;
	v15 =	vand.u32 $0x7FFFFFFF, v15;
	v17 =	vand.u32 $0x7FFFFFFF, v17  }
0xaf: {  	v35 =	vld.idx.msk [tilespmem:v6+s12+$0x130 ss:$0x1], $0xffff;
	v18 =	vand.u32 $0x7FFFFFFF, v18;
	v20 =	vand.u32 $0x7FFFFFFF, v20;
	v21 =	vand.u32 $0x7FFFFFFF, v21  }
0xb0: {  	v38 =	vld.idx.msk [tilespmem:v7+s12+$0x130 ss:$0x1], $0xffff;
	v23 =	vand.u32 $0x7FFFFFFF, v23;
	v24 =	vand.u32 $0x7FFFFFFF, v24;
	v26 =	vand.u32 $0x7FFFFFFF, v26  }
0xb1: {  	v41 =	vld.idx.msk [tilespmem:v6+s12+$0x1B0 ss:$0x1], $0xffff;
	v27 =	vand.u32 $0x7FFFFFFF, v27;
	v29 =	vand.u32 $0x7FFFFFFF, v29;
	v30 =	vand.u32 $0x7FFFFFFF, v30  }
0xb2: {  	v53 =	vld.idx.msk [tilespmem:v7+s12+$0x1B0 ss:$0x1], $0xffff;
	v50 =	vand.u32 $0x7FFFFFFF, v59;
	v43 =	vadd.f32 v17, v17;
	v48 =	vadd.f32 v18, v18  }
0xb3: {  	v44 =	vmin.f32 v23, $1.000000000e+00;
	v47 =	vadd.f32 v21, v21;
	v23 =	vadd.f32 v23, v23  }
0xb4: {  	[tilespmem:$0x1FF90] =	vst v0;
	v46 =	vmin.f32 v24, $1.000000000e+00;
	v24 =	vadd.f32 v24, v24;
	v0 =	vadd.f32 v29, v29  }
0xb5: {  	v49 =	vand.u32 $0x7FFFFFFF, v61;
	v16 =	vsub.f32 v10, v16;
	v19 =	vsub.f32 v19, v22  }
0xb6: {  	v58 =	vmin.f32 v29, $1.000000000e+00;
	v22 =	vsub.f32 v25, v28;
	v25 =	vsub.f32 v31, v33  }
0xb7: {  	v28 =	vsub.f32 v35, v38;
	v38 =	vcvt.s32.f32 v12;
	v12 =	vsub.f32 v41, v53  }
0xb8: {  	v31 =	vand.u32 $0x7FFFFFFF, v32;
	v32 =	vand.u32 $0x7FFFFFFF, v36;
	v33 =	vand.u32 $0x7FFFFFFF, v34  }
0xb9: {  	v34 =	vand.u32 $0x7FFFFFFF, v37;
	v35 =	vand.u32 $0x7FFFFFFF, v39;
	v36 =	vand.u32 $0x7FFFFFFF, v40  }
0xba: {  	v37 =	vand.u32 $0x7FFFFFFF, v42;
	v39 =	vand.u32 $0x7FFFFFFF, v55;
	v41 =	vand.u32 $0x7FFFFFFF, v57  }
0xbb: {  	v40 =	vmin.f32 v20, $1.000000000e+00;
	v20 =	vadd.f32 v20, v20;
	v55 =	vmin.f32 v26, $1.000000000e+00  }
0xbc: {  	v26 =	vadd.f32 v26, v26;
	v57 =	vmin.f32 v27, $1.000000000e+00;
	v27 =	vadd.f32 v27, v27  }
0xbd: {  	[tilespmem:$0x1FFA0] =	vst v62;
	v42 =	vmin.f32 v21, $1.000000000e+00;
	v2 =	vadd.f32 v31, v31;
	v62 =	vadd.f32 v33, v33  }
0xbe: {  	v31 =	vmin.f32 v31, $1.000000000e+00;
	v45 =	vadd.f32 v35, v35;
	v9 =	vadd.f32 v36, v36  }
0xbf: {  	[tilespmem:$0x1FFC0] =	vst v38;
	v38 =	vand.u32 $0x7FFFFFFF, v52;
	v52 =	vand.u32 $0x7FFFFFFF, v60;
	v51 =	vand.u32 $0x7FFFFFFF, v16  }
0xc0: {  	v53 =	vand.u32 $0x7FFFFFFF, v19;
	v54 =	vand.u32 $0x7FFFFFFF, v22;
	v56 =	vand.u32 $0x7FFFFFFF, v25  }
0xc1: {  	v10 =	vand.u32 $0x7FFFFFFF, v28;
	v16 =	vmin.f32 v13, $1.000000000e+00;
	v19 =	vmin.f32 v14, $1.000000000e+00  }
0xc2: {  	v22 =	vmin.f32 v15, $1.000000000e+00;
	v13 =	vadd.f32 v13, v13;
	v14 =	vadd.f32 v14, v14  }
0xc3: {  	v15 =	vadd.f32 v15, v15;
	v60 =	vmin.f32 v30, $1.000000000e+00;
	v30 =	vadd.f32 v30, v30  }
0xc4: {  	v59 =	vand.u32 $0x7FFFFFFF, v12;
	v27 =	vsub.f32 v27, v57;
	v12 =	vadd.f32 v41, v41  }
0xc5: {  	v25 =	vmin.f32 v17, $1.000000000e+00;
	v61 =	vadd.f32 v51, v51;
	v13 =	vsub.f32 v13, v16  }
0xc6: {  	v28 =	vmin.f32 v18, $1.000000000e+00;
	v8 =	vadd.f32 v54, v54;
	v14 =	vsub.f32 v14, v19  }
0xc7: {  	v29 =	vadd.f32 v56, v56;
	v11 =	vmul.f32 v13, v16;
	v13 =	vsub.f32 v15, v22  }
0xc8: {  	v16 =	vmul.f32 v14, v19;
	v15 =	vadd.f32 v34, v34;
	v14 =	vsub.f32 v43, v25  }
0xc9: {  	v43 =	vadd.f32 v32, v32;
	v18 =	vmul.f32 v13, v22;
	v13 =	vsub.f32 v48, v28  }
0xca: {  	v19 =	vmul.f32 v14, v25;
	v14 =	vsub.f32 v20, v40;
	v48 =	vadd.f32 v37, v37  }
0xcb: {  	v33 =	vmin.f32 v33, $1.000000000e+00;
	v17 =	vmovc v10;
	v25 =	vadd.f32 v10, v10;
	v10 =	vadd.f32 v59, v59  }
0xcc: {  	v20 =	vmul.f32 v13, v28;
	v21 =	vmul.f32 v14, v40;
	v13 =	vsub.f32 v47, v42  }
0xcd: {  	v28 =	vmin.f32 v34, $1.000000000e+00;
	v14 =	vsub.f32 v23, v44;
	v23 =	vadd.f32 v38, v38  }
0xce: {  	v34 =	vmul.f32 v27, v57;
	v57 =	vadd.f32 v52, v52;
	v27 =	vsub.f32 v30, v60  }
0xcf: {  	v47 =	vmin.f32 v32, $1.000000000e+00;
	v30 =	vsub.f32 v2, v31;
	v2 =	vadd.f32 v53, v53  }
0xd0: {  	v22 =	vmul.f32 v13, v42;
	v13 =	vsub.f32 v24, v46;
	v5 =	vmul.f32 v14, v44  }
0xd1: {  	v24 =	vadd.f32 v39, v39;
	v14 =	vsub.f32 v26, v55;
	v26 =	vmin.f32 v35, $1.000000000e+00  }
0xd2: {  	v42 =	vmul.f32 v27, v60;
	v27 =	vsub.f32 v62, v33;
	v44 =	vmul.f32 v30, v31  }
0xd3: {  	v30 =	vsub.f32 v15, v28;
	v15 =	vmin.f32 v38, $1.000000000e+00;
	v31 =	vsub.f32 v43, v47  }
0xd4: {  	[tilespmem:$0x1FFB0] =	vst v63;
	v38 =	vmin.f32 v50, $1.000000000e+00;
	v63 =	vmul.f32 v13, v46;
	v46 =	vsub.f32 v0, v58  }
0xd5: {  	v35 =	vmul.f32 v14, v55;
	v55 =	vadd.f32 v50, v50;
	v13 =	vmin.f32 v36, $1.000000000e+00  }
0xd6: {  	v14 =	vmin.f32 v37, $1.000000000e+00;
	v43 =	vmul.f32 v27, v33;
	v27 =	vsub.f32 v45, v26  }
0xd7: {  	v45 =	vmul.f32 v30, v28;
	v28 =	vmin.f32 v39, $1.000000000e+00;
	v33 =	vmin.f32 v41, $1.000000000e+00  }
0xd8: {  	v36 =	vmin.f32 v52, $1.000000000e+00;
	v41 =	vmin.f32 v49, $1.000000000e+00;
	v39 =	vmin.f32 v51, $1.000000000e+00  }
0xd9: {  	v37 =	vmin.f32 v53, $1.000000000e+00;
	v50 =	vsub.f32 v48, v14;
	v48 =	vsub.f32 v23, v15  }
0xda: {  	v52 =	vsub.f32 v24, v28;
	v51 =	vsub.f32 v12, v33;
	v24 =	vmin.f32 v17, $1.000000000e+00  }
0xdb: {  	v23 =	vmin.f32 v59, $1.000000000e+00;
	v40 =	vmul.f32 v46, v58;
	v58 =	vadd.f32 v49, v49  }
0xdc: {  	v46 =	vmul.f32 v31, v47;
	v47 =	vmul.f32 v27, v26;
	v49 =	vsub.f32 v9, v13  }
0xdd: {  	v31 =	vmin.f32 v54, $1.000000000e+00;
	v55 =	vsub.f32 v55, v38;
	v54 =	vsub.f32 v57, v36  }
0xde: {  	v27 =	vmin.f32 v56, $1.000000000e+00;
	v57 =	vsub.f32 v61, v39;
	v56 =	vsub.f32 v2, v37  }
0xdf: {  	s11 =	simm.s32 $0x800;
	s9 =	sadd.s32 $0x80, s8;
	v60 =	vld [tilespmem:$0x1FFF0];
	v12 =	vmovc v3;
	v59 =	vmovc v4;
	v61 =	vmov v1;
	v53 =	vsub.f32 v8, v31;
	v58 =	vsub.f32 v58, v41  }
.LBB2_12:
0xe0: {  	v0 =	vld [tilespmem:s9+$0x40]  }
0xe1: {  	v49 =	vmul.f32 v49, v13;
	v13 =	vld [tilespmem:s9+$0x50]  }
0xe2: {  	v28 =	vmul.f32 v52, v28;
	v52 =	vld [tilespmem:s8+$0x20]  }
0xe3: {  	v41 =	vmul.f32 v58, v41;
	v58 =	vld [tilespmem:s8+$0x30]  }
0xe4: {  	v8 =	vld [tilespmem:$0x1FF90]  }
0xe5: {  	v9 =	vld [tilespmem:$0x1FFA0]  }
0xe6: {  	v50 =	vmul.f32 v50, v14;
	v14 =	vld [tilespmem:s9+$0x60]  }
0xe7: {  	v39 =	vmul.f32 v57, v39;
	s12 =	sshra.s32 s11, $0x2;
	v57 =	vadd.f32 v21, v20;
	v20 =	vld [tilespmem:s8+$0x0]  }
0xe8: {  	v33 =	vmul.f32 v51, v33;
	v51 =	vadd.f32 v16, v11;
	v16 =	vld.idx.msk [tilespmem:v6+s12+$0x40 ss:$0x1], $0xffff  }
0xe9: {  	v17 =	vld.idx.msk [tilespmem:v7+s12+$0x40 ss:$0x1], $0xffff  }
0xea: {  	v36 =	vmul.f32 v54, v36;
	v54 =	vadd.f32 v19, v18;
	v18 =	vld.idx.msk [tilespmem:v6+s12+$0xC0 ss:$0x1], $0xffff  }
0xeb: {  	v21 =	vmul.f32 v53, v31;
	v31 =	vadd.f32 v44, v42;
	v44 =	vld [tilespmem:$0x1FFE0]  }
0xec: {  	v26 =	vsub.f32 v10, v23;
	v10 =	vld.idx.msk [tilespmem:v7+s12+$0x1D0 ss:$0x1], $0xffff  }
0xed: {  	v11 =	vld.idx.msk [tilespmem:v7+s12+$0x60 ss:$0x1], $0xffff  }
0xee: {  	v19 =	vmul.f32 v56, v37;
	v37 =	vld.idx.msk [tilespmem:v7+s12+$0x70 ss:$0x1], $0xffff  }
0xef: {  	v53 =	vld.idx.msk [tilespmem:v7+s12+$0x10 ss:$0x1], $0xffff  }
0xf0: {  	v48 =	vmul.f32 v48, v15;
	v38 =	vmul.f32 v55, v38;
	v55 =	vld.idx.msk [tilespmem:v7+s12+$0x90 ss:$0x1], $0xffff  }
0xf1: {  	v56 =	vld.idx.msk [tilespmem:v6+s12+$0x110 ss:$0x1], $0xffff  }
0xf2: {  	v28 =	vadd.f32 v28, v48;
	v48 =	vld [tilespmem:$0x1FFB0]  }
0xf3: {  	v2 =	vadd.f32 v41, v36;
	v36 =	vld.idx.msk [tilespmem:v6+s12+$0x70 ss:$0x1], $0xffff  }
0xf4: {  	v41 =	vadd.f32 v19, v39;
	v19 =	vld.idx.msk [tilespmem:v7+s12+$0xC0 ss:$0x1], $0xffff  }
0xf5: {  	v22 =	vadd.f32 v5, v22;
	v39 =	vld.idx.msk [tilespmem:v7+s12+$0xF0 ss:$0x1], $0xffff  }
0xf6: {  	v30 =	vsub.f32 v25, v24;
	v25 =	vadd.f32 v35, v63;
	v63 =	vld [tilespmem:s8+$0x10]  }
0xf7: {  	v32 =	vsub.f32 v29, v27;
	v29 =	vadd.f32 v40, v34;
	v40 =	vld.idx.msk [tilespmem:v6+s12+$0x170 ss:$0x1], $0xffff  }
0xf8: {  	[tilespmem:$0x1FEC0] =	vst v0;
	v0 =	vadd.f32 v45, v43;
	v43 =	vadd.f32 v22, v57;
	v22 =	vld.idx.msk [tilespmem:v6+s12+$0x1C0 ss:$0x1], $0xffff  }
0xf9: {  	v62 =	vadd.f32 v47, v46;
	v45 =	vld [tilespmem:$0x1FFD0]  }
0xfa: {  	v23 =	vmul.f32 v26, v23;
	v1 =	vadd.f32 v50, v49;
	v26 =	vcvt.s32.f32 v52;
	v52 =	vld.idx.msk [tilespmem:v6+s12+$0x10 ss:$0x1], $0xffff  }
0xfb: {  	v57 =	vld.idx.msk [tilespmem:v7+s12+$0x110 ss:$0x1], $0xffff  }
0xfc: {  	v34 =	vadd.f32 v1, v62;
	v62 =	vld.idx.msk [tilespmem:v6+s12+$0xA0 ss:$0x1], $0xffff  }
0xfd: {  	v42 =	vcvt.s32.f32 v20;
	v20 =	vld.idx.msk [tilespmem:v6+s12+$0x140 ss:$0x1], $0xffff  }
0xfe: {  	v27 =	vmul.f32 v32, v27;
	v32 =	vld.idx.msk [tilespmem:v7+s12+$0x1C0 ss:$0x1], $0xffff  }
0xff: {  	v24 =	vmul.f32 v30, v24;
	v30 =	vadd.f32 v38, v33;
	v38 =	vld.idx.msk [tilespmem:v6+s12+$0xF0 ss:$0x1], $0xffff  }
0x100: {  	v33 =	vadd.f32 v41, v2;
	v41 =	vld.idx.msk [tilespmem:v7+s12+$0x170 ss:$0x1], $0xffff  }
0x101: {  	v16 =	vsub.f32 v16, v17;
	v17 =	vld.idx.msk [tilespmem:v6+s12+$0x1A0 ss:$0x1], $0xffff  }
0x102: {  	v27 =	vadd.f32 v27, v21;
	v21 =	vld.idx.msk [tilespmem:v7+s12+$0x140 ss:$0x1], $0xffff  }
0x103: {  	v25 =	vadd.f32 v29, v25;
	v29 =	vmul.f32 v42, v34;
	v34 =	vld.idx.msk [tilespmem:v6+s12+$0xD0 ss:$0x1], $0xffff  }
0x104: {  	v5 =	vadd.f32 v42, v44;
	v42 =	vld.idx.msk [tilespmem:v6+s12+$0x1F0 ss:$0x1], $0xffff  }
0x105: {  	v44 =	vld.idx.msk [tilespmem:v6+s12+$0x0 ss:$0x1], $0xffff  }
0x106: {  	v23 =	vadd.f32 v23, v24;
	v24 =	vadd.f32 v54, v51;
	v54 =	vld.idx.msk [tilespmem:v6+s12+$0x90 ss:$0x1], $0xffff  }
0x107: {  	v28 =	vadd.f32 v30, v28;
	v30 =	vcvt.s32.f32 v58;
	v58 =	vld.idx.msk [tilespmem:v6+s12+$0x190 ss:$0x1], $0xffff  }
0x108: {  	v35 =	vcvt.s32.f32 v63;
	v63 =	vld.idx.msk [tilespmem:v7+s12+$0xA0 ss:$0x1], $0xffff  }
0x109: {  	v23 =	vadd.f32 v23, v27;
	v27 =	vld.idx.msk [tilespmem:v6+s12+$0x50 ss:$0x1], $0xffff  }
0x10a: {  	v33 =	vmul.f32 v26, v33;
	v3 =	vadd.f32 v29, v61;
	v29 =	vld.idx.msk [tilespmem:v7+s12+$0x50 ss:$0x1], $0xffff  }
0x10b: {  	v5 =	vadd.f32 v26, v5;
	v26 =	vld.idx.msk [tilespmem:v6+s12+$0x150 ss:$0x1], $0xffff  }
0x10c: {  	v1 =	vadd.f32 v33, v60;
	v33 =	vld.idx.msk [tilespmem:v6+s12+$0x1E0 ss:$0x1], $0xffff  }
0x10d: {  	v60 =	vld.idx.msk [tilespmem:v6+s12+$0x20 ss:$0x1], $0xffff  }
0x10e: {  	v61 =	vld.idx.msk [tilespmem:v7+s12+$0x20 ss:$0x1], $0xffff  }
0x10f: {  	v24 =	vmul.f32 v8, v24;
	v28 =	vmul.f32 v35, v28;
	v4 =	vadd.f32 v35, v45;
	v35 =	vld.idx.msk [tilespmem:v7+s12+$0x1E0 ss:$0x1], $0xffff  }
0x110: {  	v45 =	vld.idx.msk [tilespmem:v7+s12+$0x0 ss:$0x1], $0xffff  }
0x111: {  	v46 =	vadd.f32 v24, v3;
	v24 =	vld.idx.msk [tilespmem:v7+s12+$0xD0 ss:$0x1], $0xffff  }
0x112: {  	v25 =	vmul.f32 v48, v25;
	v3 =	vld [tilespmem:$0x1FFC0]  }
0x113: {  	v5 =	vadd.f32 v8, v5;
	v8 =	vld.idx.msk [tilespmem:v6+s12+$0x1D0 ss:$0x1], $0xffff  }
0x114: {  	v1 =	vadd.f32 v25, v1;
	v25 =	vld.idx.msk [tilespmem:v7+s12+$0xE0 ss:$0x1], $0xffff  }
0x115: {  	v23 =	vmul.f32 v30, v23;
	v4 =	vadd.f32 v30, v4;
	v30 =	vld.idx.msk [tilespmem:v6+s12+$0x160 ss:$0x1], $0xffff  }
0x116: {  	v31 =	vadd.f32 v0, v31;
	v2 =	vadd.f32 v28, v59;
	v28 =	vmul.f32 v9, v43;
	v43 =	vld.idx.msk [tilespmem:v7+s12+$0x1F0 ss:$0x1], $0xffff  }
0x117: {  	v18 =	vsub.f32 v18, v19;
	v52 =	vsub.f32 v52, v53;
	v59 =	vld.idx.msk [tilespmem:v7+s12+$0x190 ss:$0x1], $0xffff  }
0x118: {  	v57 =	vsub.f32 v56, v57;
	v19 =	vsub.f32 v20, v21;
	v20 =	vld.idx.msk [tilespmem:v7+s12+$0x1A0 ss:$0x1], $0xffff  }
0x119: {  	v21 =	vsub.f32 v22, v32;
	v55 =	vsub.f32 v54, v55;
	[tilespmem:$0x1FF50] =	vst v46;
	v46 =	vld.idx.msk [tilespmem:v6+s12+$0x80 ss:$0x1], $0xffff  }
0x11a: {  	v16 =	vand.u32 $0x7FFFFFFF, v16;
	v49 =	vadd.f32 v23, v12;
	v50 =	vadd.f32 v48, v5;
	v48 =	vld.idx.msk [tilespmem:v6+s12+$0x100 ss:$0x1], $0xffff  }
0x11b: {  	v18 =	vand.u32 $0x7FFFFFFF, v18;
	[tilespmem:$0x1FFF0] =	vst v1;
	v1 =	vld.idx.msk [tilespmem:v7+s12+$0x120 ss:$0x1], $0xffff;
	v12 =	vsub.f32 v62, v63;
	v4 =	vadd.f32 v9, v4  }
0x11c: {  	v63 =	vcvt.s32.f32 v14;
	v47 =	vadd.f32 v28, v2;
	v28 =	vld.idx.msk [tilespmem:v7+s12+$0x150 ss:$0x1], $0xffff;
	v22 =	vsub.f32 v27, v29  }
0x11d: {  	v9 =	vld.idx.msk [tilespmem:v6+s12+$0x60 ss:$0x1], $0xffff;
	v19 =	vand.u32 $0x7FFFFFFF, v19;
	v12 =	vand.u32 $0x7FFFFFFF, v12;
	v51 =	vadd.f32 v3, v4  }
0x11e: {  	v27 =	vld.idx.msk [tilespmem:v6+s12+$0x30 ss:$0x1], $0xffff;
	v23 =	vmul.f32 v3, v31;
	v24 =	vsub.f32 v34, v24;
	v58 =	vsub.f32 v58, v59  }
0x11f: {  	[tilespmem:$0x1FFE0] =	vst v50;
	v50 =	vld.idx.msk [tilespmem:v6+s12+$0x180 ss:$0x1], $0xffff;
	v59 =	vsub.f32 v60, v61;
	v62 =	vsub.f32 v17, v20;
	v20 =	vand.u32 $0x7FFFFFFF, v21  }
0x120: {  	v21 =	vand.u32 $0x7FFFFFFF, v22;
	v0 =	vadd.f32 v23, v49;
	v23 =	vld.idx.msk [tilespmem:v6+s12+$0xE0 ss:$0x1], $0xffff;
	v22 =	vand.u32 $0x7FFFFFFF, v24  }
0x121: {  	v31 =	vld.idx.msk [tilespmem:v7+s12+$0x160 ss:$0x1], $0xffff;
	v5 =	vmin.f32 v21, $1.000000000e+00;
	v21 =	vadd.f32 v21, v21;
	v26 =	vsub.f32 v26, v28  }
0x122: {  	v60 =	vld [tilespmem:$0x1FEC0];
	v32 =	vsub.f32 v9, v11;
	v9 =	vmin.f32 v19, $1.000000000e+00;
	v19 =	vadd.f32 v19, v19  }
0x123: {  	[tilespmem:$0x1FF40] =	vst v47;
	v47 =	vld.idx.msk [tilespmem:v7+s12+$0x80 ss:$0x1], $0xffff;
	v29 =	vsub.f32 v8, v10;
	v8 =	vmin.f32 v22, $1.000000000e+00;
	v22 =	vadd.f32 v22, v22  }
0x124: {  	v49 =	vld.idx.msk [tilespmem:v7+s12+$0x100 ss:$0x1], $0xffff;
	v21 =	vsub.f32 v21, v5;
	v24 =	vand.u32 $0x7FFFFFFF, v26;
	v19 =	vsub.f32 v19, v9  }
0x125: {  	v61 =	vcvt.s32.f32 v13;
	[tilespmem:$0x1FFD0] =	vst v51;
	v51 =	vld.idx.msk [tilespmem:v7+s12+$0x180 ss:$0x1], $0xffff;
	v4 =	vadd.f32 v24, v24;
	v23 =	vsub.f32 v23, v25  }
0x126: {  	v28 =	vld.idx.msk [tilespmem:v7+s12+$0x30 ss:$0x1], $0xffff;
	v26 =	vand.u32 $0x7FFFFFFF, v29;
	v25 =	vsub.f32 v30, v31;
	v31 =	vsub.f32 v33, v35  }
0x127: {  	[tilespmem:$0x1FF10] =	vst v0;
	v0 =	vld.idx.msk [tilespmem:v6+s12+$0x120 ss:$0x1], $0xffff;
	v2 =	vcvt.s32.f32 v60;
	v33 =	vsub.f32 v36, v37;
	v35 =	vsub.f32 v38, v39  }
0x128: {  	v60 =	vmin.f32 v16, $1.000000000e+00;
	v36 =	vsub.f32 v40, v41;
	v37 =	vsub.f32 v44, v45  }
0x129: {  	v10 =	vmin.f32 v24, $1.000000000e+00;
	v39 =	vsub.f32 v42, v43;
	v40 =	vsub.f32 v46, v47  }
0x12a: {  	v41 =	vsub.f32 v48, v49;
	v43 =	vsub.f32 v50, v51;
	v48 =	vand.u32 $0x7FFFFFFF, v62  }
0x12b: {  	v15 =	vld [tilespmem:s9+$0x70];
	v44 =	vadd.f32 v16, v16;
	v62 =	vmin.f32 v26, $1.000000000e+00;
	v13 =	vsub.f32 v27, v28  }
0x12c: {  	v53 =	vld.idx.msk [tilespmem:v7+s12+$0x1B0 ss:$0x1], $0xffff;
	v27 =	vand.u32 $0x7FFFFFFF, v32;
	v0 =	vsub.f32 v0, v1;
	v23 =	vand.u32 $0x7FFFFFFF, v23  }
0x12d: {  	v34 =	vld.idx.msk [tilespmem:v6+s12+$0x130 ss:$0x1], $0xffff;
	v25 =	vand.u32 $0x7FFFFFFF, v25;
	v28 =	vand.u32 $0x7FFFFFFF, v31;
	v29 =	vand.u32 $0x7FFFFFFF, v33  }
0x12e: {  	v11 =	vld.idx.msk [tilespmem:v6+s12+$0xB0 ss:$0x1], $0xffff;
	v31 =	vand.u32 $0x7FFFFFFF, v37;
	v32 =	vand.u32 $0x7FFFFFFF, v36;
	v33 =	vand.u32 $0x7FFFFFFF, v39  }
0x12f: {  	[tilespmem:$0x1FFB0] =	vst v63;
	v30 =	vld.idx.msk [tilespmem:v7+s12+$0xB0 ss:$0x1], $0xffff;
	v36 =	vand.u32 $0x7FFFFFFF, v43;
	v63 =	vmin.f32 v27, $1.000000000e+00;
	v27 =	vadd.f32 v27, v27  }
0x130: {  	v38 =	vld.idx.msk [tilespmem:v7+s12+$0x130 ss:$0x1], $0xffff;
	v37 =	vand.u32 $0x7FFFFFFF, v52;
	v44 =	vsub.f32 v44, v60;
	v1 =	vadd.f32 v23, v23  }
0x131: {  	v42 =	vld.idx.msk [tilespmem:v6+s12+$0x1B0 ss:$0x1], $0xffff;
	v39 =	vand.u32 $0x7FFFFFFF, v57;
	v3 =	vadd.f32 v25, v25;
	v49 =	vadd.f32 v28, v28  }
0x132: {  	v57 =	vmin.f32 v28, $1.000000000e+00;
	v52 =	vadd.f32 v32, v32;
	v24 =	vadd.f32 v31, v31  }
0x133: {  	v51 =	vadd.f32 v36, v36;
	v45 =	vmin.f32 v33, $1.000000000e+00;
	v16 =	vadd.f32 v37, v37  }
0x134: {  	[tilespmem:$0x1FF90] =	vst v2;
	v2 =	vand.u32 $0x7FFFFFFF, v0;
	v0 =	vadd.f32 v26, v26;
	v26 =	vmin.f32 v25, $1.000000000e+00  }
0x135: {  	v25 =	vmin.f32 v29, $1.000000000e+00;
	v14 =	vsub.f32 v11, v30;
	v17 =	vsub.f32 v34, v38  }
0x136: {  	v38 =	vcvt.s32.f32 v15;
	v15 =	vsub.f32 v42, v53;
	v30 =	vand.u32 $0x7FFFFFFF, v35  }
0x137: {  	v34 =	vand.u32 $0x7FFFFFFF, v40;
	v35 =	vand.u32 $0x7FFFFFFF, v41;
	v40 =	vand.u32 $0x7FFFFFFF, v58  }
0x138: {  	v41 =	vand.u32 $0x7FFFFFFF, v59;
	v42 =	vand.u32 $0x7FFFFFFF, v13;
	v59 =	vmin.f32 v18, $1.000000000e+00  }
0x139: {  	[tilespmem:$0x1FFA0] =	vst v61;
	v11 =	vmin.f32 v20, $1.000000000e+00;
	v18 =	vadd.f32 v18, v18;
	v28 =	vadd.f32 v42, v42  }
0x13a: {  	[tilespmem:$0x1FFC0] =	vst v38;
	v38 =	vand.u32 $0x7FFFFFFF, v55;
	v61 =	vand.u32 $0x7FFFFFFF, v15;
	v15 =	vadd.f32 v2, v2  }
0x13b: {  	v20 =	vadd.f32 v20, v20;
	v58 =	vmin.f32 v23, $1.000000000e+00;
	v13 =	vadd.f32 v38, v38;
	[tilespmem:$0x1FF80] =	vst v28  }
0x13c: {  	v53 =	vmin.f32 v31, $1.000000000e+00;
	v50 =	vadd.f32 v30, v30;
	[tilespmem:$0x1FF20] =	vst v15;
	v15 =	vadd.f32 v48, v48  }
0x13d: {  	v56 =	vmin.f32 v30, $1.000000000e+00;
	v43 =	vand.u32 $0x7FFFFFFF, v14;
	v18 =	vsub.f32 v18, v59;
	[tilespmem:$0x1FED0] =	vst v13  }
0x13e: {  	v23 =	vadd.f32 v34, v34;
	v28 =	vadd.f32 v43, v43;
	[tilespmem:$0x1FF60] =	vst v15;
	v15 =	vmin.f32 v37, $1.000000000e+00  }
0x13f: {  	v37 =	vmin.f32 v48, $1.000000000e+00;
	v48 =	vsub.f32 v16, v15;
	v16 =	vmul.f32 v18, v59;
	v18 =	vld [tilespmem:$0x1FED0]  }
0x140: {  	v54 =	vand.u32 $0x7FFFFFFF, v17;
	v17 =	vadd.f32 v29, v29;
	v13 =	vadd.f32 v39, v39  }
0x141: {  	v55 =	vadd.f32 v33, v33;
	v29 =	vmin.f32 v32, $1.000000000e+00;
	v33 =	vmin.f32 v39, $1.000000000e+00;
	[tilespmem:$0x1FF70] =	vst v28  }
0x142: {  	v20 =	vsub.f32 v20, v11;
	v28 =	vmin.f32 v38, $1.000000000e+00;
	[tilespmem:$0x1FEE0] =	vst v13;
	v13 =	vadd.f32 v40, v40  }
0x143: {  	v39 =	vmin.f32 v2, $1.000000000e+00;
	v2 =	vsub.f32 v27, v63;
	v27 =	vmin.f32 v43, $1.000000000e+00  }
0x144: {  	v43 =	vsub.f32 v52, v29;
	[tilespmem:$0x1FEF0] =	vst v13;
	v52 =	vsub.f32 v18, v28;
	v18 =	vmul.f32 v19, v9  }
0x145: {  	v14 =	vadd.f32 v12, v12;
	v19 =	vmul.f32 v20, v11;
	v20 =	vmul.f32 v21, v5;
	v5 =	vld [tilespmem:$0x1FEF0]  }
0x146: {  	v46 =	vadd.f32 v35, v35;
	v47 =	vmin.f32 v34, $1.000000000e+00;
	v31 =	vmin.f32 v42, $1.000000000e+00  }
0x147: {  	v30 =	vadd.f32 v54, v54;
	v34 =	vadd.f32 v61, v61;
	[tilespmem:$0x1FF00] =	vst v14;
	v14 =	vmin.f32 v36, $1.000000000e+00  }
0x148: {  	v32 =	vsub.f32 v55, v45;
	v38 =	vmin.f32 v40, $1.000000000e+00;
	v40 =	vsub.f32 v0, v62  }
0x149: {  	v36 =	vmin.f32 v41, $1.000000000e+00;
	v0 =	vsub.f32 v1, v58;
	v1 =	vsub.f32 v3, v26  }
0x14a: {  	v13 =	vmin.f32 v35, $1.000000000e+00;
	v55 =	vsub.f32 v5, v38;
	v5 =	vmul.f32 v40, v62;
	v40 =	vld [tilespmem:$0x1FF00]  }
0x14b: {  	v3 =	vsub.f32 v49, v57;
	v49 =	vsub.f32 v46, v13;
	v46 =	vmul.f32 v44, v60;
	v44 =	vld [tilespmem:$0x1FF20]  }
0x14c: {  	v42 =	vsub.f32 v17, v25;
	v17 =	vsub.f32 v23, v47;
	v23 =	vmin.f32 v61, $1.000000000e+00  }
0x14d: {  	v61 =	vld [tilespmem:$0x1FF50];
	[tilespmem:$0x1FF30] =	vst v30;
	v30 =	vsub.f32 v24, v53;
	v24 =	vmin.f32 v54, $1.000000000e+00;
	v35 =	vadd.f32 v41, v41  }
0x14e: {  	v41 =	vmin.f32 v12, $1.000000000e+00;
	v12 =	vsub.f32 v4, v10;
	v4 =	vsub.f32 v50, v56;
	v9 =	vld [tilespmem:$0x1FEE0]  }
0x14f: {  	v54 =	vsub.f32 v35, v36;
	v35 =	vmul.f32 v0, v58;
	v62 =	vld [tilespmem:$0x1FF80];
	v58 =	vsub.f32 v40, v41  }
0x150: {  	p0 =	sne.s32 s11, $0x3800;
	v40 =	vmul.f32 v3, v57;
	v57 =	vsub.f32 v44, v39;
	v44 =	vmul.f32 v4, v56;
	v56 =	vld [tilespmem:$0x1FF60]  }
.Ltmp7:
0x151: {  	v22 =	vsub.f32 v22, v8;
	v42 =	vmul.f32 v42, v25;
	v25 =	vld [tilespmem:$0x1FF30];
	v45 =	vmul.f32 v32, v45;
	(pc) =	sbr.rel @p0 .LBB2_12-.Ltmp7, $4  }
0x152: {  	v47 =	vmul.f32 v17, v47;
	v63 =	vmul.f32 v2, v63;
	v59 =	vld [tilespmem:$0x1FF40]  }
0x153: {  	v43 =	vmul.f32 v43, v29;
	v29 =	vld [tilespmem:$0x1FF70];
	v50 =	vsub.f32 v51, v14;
	v21 =	vmul.f32 v22, v8  }
0x154: {  	v60 =	vld [tilespmem:$0x1FFF0];
	v22 =	vmul.f32 v12, v10;
	v10 =	vmovc v34;
	v34 =	vmul.f32 v1, v26;
	v51 =	vsub.f32 v9, v33  }
0x155: {  	s11 =	sadd.s32 $0x800, s11;
	s8 =	smov.u32 s9;
	s9 =	sadd.s32 $0x80, s9;
	v12 =	vld [tilespmem:$0x1FF10];
	v11 =	vmovc v46;
	v46 =	vmul.f32 v30, v53;
	v53 =	vsub.f32 v62, v31;
	v56 =	vsub.f32 v56, v37  }
0x156: {  	v0 =	vmul.f32 v49, v13  }
0x157: {  	v1 =	vmul.f32 v50, v14;
	v3 =	vmul.f32 v48, v15  }
0x158: {  	v4 =	vmul.f32 v52, v28;
	v6 =	vmul.f32 v51, v33  }
0x159: {  	v7 =	vmul.f32 v55, v38;
	v9 =	vmul.f32 v54, v36  }
0x15a: {  	v8 =	vsub.f32 v10, v23;
	v10 =	vmul.f32 v58, v41;
	v30 =	vmul.f32 v57, v39  }
0x15b: {  	v17 =	vadd.f32 v5, v22;
	v48 =	vmul.f32 v56, v37;
	v0 =	vadd.f32 v1, v0  }
0x15c: {  	v1 =	vadd.f32 v4, v3;
	v4 =	vadd.f32 v7, v6  }
0x15d: {  	v50 =	vld [tilespmem:s8+$0x0];
	v5 =	vadd.f32 v10, v9;
	v6 =	vmul.f32 v8, v23;
	v8 =	vadd.f32 v48, v30;
	_ =	sdelay $0x1  }
0x15e: {  	v5 =	vadd.f32 v8, v5;
	v8 =	vld [tilespmem:$0x1FFE0]  }
0x15f: {  	v32 =	vsub.f32 v25, v24;
	v54 =	vadd.f32 v47, v46  }
0x160: {  	v11 =	vadd.f32 v16, v11;
	v38 =	vadd.f32 v19, v18;
	v41 =	vld [tilespmem:s8+$0x20]  }
0x161: {  	v26 =	vld [tilespmem:s8+$0x10];
	v2 =	vsub.f32 v29, v27;
	v0 =	vadd.f32 v0, v54;
	v9 =	vcvt.s32.f32 v50  }
0x162: {  	v39 =	vadd.f32 v21, v20;
	v62 =	vld [tilespmem:$0x1FF90];
	v51 =	vmul.f32 v53, v31;
	v3 =	vmul.f32 v32, v24  }
0x163: {  	v2 =	vmul.f32 v2, v27;
	v0 =	vmul.f32 v9, v0;
	v8 =	vadd.f32 v9, v8;
	v9 =	vld [tilespmem:$0x1FFD0]  }
0x164: {  	v49 =	vadd.f32 v35, v63;
	v3 =	vadd.f32 v6, v3  }
0x165: {  	v56 =	vld [tilespmem:s8+$0x30];
	v6 =	vadd.f32 v38, v11;
	v2 =	vadd.f32 v2, v51  }
0x166: {  	v63 =	vld [tilespmem:$0x1FFA0];
	v1 =	vadd.f32 v4, v1;
	v7 =	vcvt.s32.f32 v41;
	v10 =	vcvt.s32.f32 v26  }
0x167: {  	v2 =	vadd.f32 v3, v2;
	v3 =	vmul.f32 v62, v6;
	v0 =	vadd.f32 v0, v61  }
0x168: {  	v11 =	vadd.f32 v17, v39;
	v1 =	vmul.f32 v10, v1;
	v9 =	vadd.f32 v10, v9  }
0x169: {  	v5 =	vmul.f32 v7, v5;
	v10 =	vadd.f32 v3, v0;
	v0 =	vadd.f32 v7, v8;
	v7 =	vld [tilespmem:$0x1FFB0]  }
0x16a: {  	v52 =	vadd.f32 v40, v34;
	v55 =	vadd.f32 v45, v43;
	v4 =	vcvt.s32.f32 v56;
	v8 =	vld [tilespmem:$0x1FFC0]  }
0x16b: {  	v53 =	vadd.f32 v44, v42;
	v6 =	vmul.f32 v63, v11;
	v1 =	vadd.f32 v1, v59  }
0x16c: {  	s24 =	sadd.s32 $0x1, s24;
	v57 =	vadd.f32 v52, v49;
	v2 =	vmul.f32 v4, v2  }
0x16d: {  	p0 =	sne.s32 s24, $0xC;
	v58 =	vadd.f32 v55, v53;
	v6 =	vadd.f32 v6, v1  }
.Ltmp8:
0x16e: {  	v2 =	vadd.f32 v2, v12;
	v1 =	vadd.f32 v4, v9;
	(pc) =	sbr.rel @p0 .LBB2_2-.Ltmp8, $4  }
.Ltmp9:
0x16f: {  	v4 =	vadd.f32 v5, v60;
	v3 =	vmul.f32 v7, v57;
	v5 =	vmul.f32 v8, v58;
	(pc) =	sbr.rel @!p0 .LBB2_14-.Ltmp9, $4  }
0x170: {  	v0 =	vadd.f32 v62, v0;
	v1 =	vadd.f32 v63, v1  }
0x171: {  	v3 =	vadd.f32 v3, v4;
	v2 =	vadd.f32 v5, v2  }
0x172: {  	s0 =	sadd.s32 $0x400, s0;
	s3 =	sadd.s32 $0x1000, s3;
	s31 =	sadd.s32 $0x1000, s31;
	v5 =	vadd.f32 v7, v0;
	v4 =	vadd.f32 v8, v1  }
0x173: {  	_ = 	snop  }
.LBB2_9:
0x174: {  	s8 =	sand.u32 $0xFF, s8  }
0x175: {  	p0 =	slt.u32 s8, $0x2  }
.Ltmp10:
0x176: {  	_ = 	snop;
	(pc) =	sbr.rel @!p0 .LBB2_6-.Ltmp10, $2  }
0x177: {  	_ =	sdelay $0x2  }
0x178: {  	v3 =	vmov v2  }
.Ltmp11:
0x179: {  	(pc) =	sbr.rel .LBB2_11-.Ltmp11, $3  }
0x17a: {  	_ =	sdelay $0x1  }
0x17b: {  	p0 =	seq.s32 s8, $0x0;
	s9 =	simm.s32 $0x1  }
0x17c: {  	v1 =	vmov v10;
	v4 =	vmov v6;
	s9 =	simm.s32 @!p0 $0x2  }
.LBB2_15:
0x17d: {  	_ =	sfence.sel $0x180000  }
0x17e: {  	[bflag:$0x0] =	sbarrier.arrive $0xFFFF  }
0x17f: {  	_ =	strace $0x90000047  }
0x180: {  	s0 =	stileid.u32;
	[bflag:$0x2] =	sbarrier.arrive $0xFFFF  }
0x181: {  	p0 =	sne.s32 s0, $0x0;
	s0 =	rddreg [dreg:$0x4]  }
0x182: {  	s0 =	sadd.s32 @!p0 $0x100000, s0  }
0x183: {  	[sflag:s0] =	ssyncadd.tile.s32 @!p0 $0x1;
	_ =	shalt  }
.Lfunc_end2:
_tile_overlayer_lowered:
.L_overlay_start_2:
0x184: {  	(tag) =	ssettag $0x2  }
0x185: {  	s0 =	rddreg [dreg:$0x0];
	s2 =	stileid.u32  }
0x186: {  	s1 =	rddreg [dreg:$0x1];
	p0 =	sne.s32 s2, $0x0  }
0x187: {  	s3 =	rddreg [dreg:$0x2];
	[bflag:$0x3] =	sbarrier.arrive $0xFFFF;
	s2 =	simm.s32 @!p0 $0x1C04  }
0x188: {  	[timem:s3], [sflag:s2] =	dma.local @!p0 [hbm:s0], s1  }
0x189: {  	s0 =	simm.s32 @!p0 $0x4  }
0x18a: {  	_ =	swait.ge @!p0 [sflag:s0], s1  }
0x18b: {  	s1 =	ssub.s32 @!p0 $0x0, s1;
	[sflag:s0] =	ssyncset.done @!p0 $0x0  }
0x18c: {  	[sflag:s0] =	ssyncadd.s32 @!p0 s1  }
0x18d: {  	[bflag:$0x3] =	sbarrier.arrive $0xFFFF  }
0x18e: {  	_ =	shalt  }

</sc_bundles>
